<compile_context>
chip_gen: v7x
topology: tpu7x:2x2x1
jax: 0.10.2.dev20260603
libtpu: 0.0.44.dev20260713+nightly
codegen_flags: <defaults>
</compile_context>

<pallas_src>
import functools

import jax
import jax.numpy as jnp
from jax import lax
from jax.experimental import pallas as pl
from jax.experimental.pallas import tpu as pltpu
from jax.experimental.pallas import tpu_sc as plsc

N = 10000
NPAD = 10240
TRASH = N
E = 160000
EPAD = 163840
NROWS = EPAD // 128
NC, NS = 2, 16
RPT = NROWS // NS
EVAC = NPAD // NS

_mesh = plsc.VectorSubcoreMesh(
    core_axis_name="c", subcore_axis_name="s", num_cores=NC, num_subcores=NS
)


DEGW = 128
RPTD = NROWS // (NC * NS)


@functools.partial(
    pl.kernel,
    out_type=jax.ShapeDtypeStruct((NC, NPAD, DEGW), jnp.float32),
    mesh=_mesh,
    scratch_types=[
        pltpu.VMEM((RPTD, 128), jnp.int32),
        pltpu.VMEM((128, DEGW), jnp.float32),
        pltpu.VMEM_SHARED((NPAD, DEGW), jnp.float32),
        pltpu.SemaphoreType.DMA,
    ],
)
def _deg_kernel(dst_hbm, ones_hbm, zeros_hbm, deg_hbm, dst_v, ones_v, deg_sh, sem):
    c = lax.axis_index("c")
    s = lax.axis_index("s")
    w = c * NS + s
    pltpu.sync_copy(ones_hbm, ones_v)
    pltpu.sync_copy(dst_hbm.at[pl.ds(w * RPTD, RPTD)], dst_v)
    pltpu.sync_copy(zeros_hbm, deg_sh.at[pl.ds(s * EVAC, EVAC)])
    plsc.subcore_barrier()

    def body(j, carry):
        pltpu.async_copy(ones_v, deg_sh.at[dst_v.at[j]], sem, add=True)
        return carry

    lax.fori_loop(0, RPTD, body, 0)

    def drain(j, carry):
        pltpu.make_async_copy(ones_hbm, ones_v, sem).wait()
        return carry

    lax.fori_loop(0, RPTD, drain, 0)
    plsc.subcore_barrier()
    pltpu.sync_copy(
        deg_sh.at[pl.ds(s * EVAC, EVAC)], deg_hbm.at[c, pl.ds(s * EVAC, EVAC)]
    )


PH = RPT // 2


def _make_spmm(dh):
    @functools.partial(
        pl.kernel,
        out_type=jax.ShapeDtypeStruct((2 * NPAD, dh), jnp.float32),
        mesh=_mesh,
        scratch_types=[
            pltpu.VMEM((PH, 128), jnp.int32),
            pltpu.VMEM((PH, 128), jnp.int32),
            pltpu.VMEM((128, dh), jnp.float32),
            pltpu.VMEM((128, dh), jnp.float32),
            pltpu.VMEM_SHARED((NPAD, dh), jnp.float32),
            pltpu.SemaphoreType.DMA,
            pltpu.SemaphoreType.DMA,
            pltpu.SemaphoreType.DMA,
            pltpu.SemaphoreType.DMA,
        ],
    )
    def _spmm(
        z_hbm, src_hbm, dst_hbm, acc_hbm, src_v, dst_v, b0, b1, acc_sh, g0, g1, s0, s1
    ):
        c = lax.axis_index("c")
        s = lax.axis_index("s")
        pltpu.sync_copy(
            z_hbm.at[pl.ds(c * NPAD + s * EVAC, EVAC)],
            acc_sh.at[pl.ds(s * EVAC, EVAC)],
        )
        plsc.subcore_barrier()

        def wait_sem(buf, sem):
            pltpu.make_async_copy(z_hbm.at[pl.ds(0, 128)], buf, sem).wait()

        def phase(base):
            pltpu.sync_copy(src_hbm.at[c, pl.ds(s * RPT + base, PH)], src_v)
            pltpu.sync_copy(dst_hbm.at[pl.ds(s * RPT + base, PH)], dst_v)
            pltpu.async_copy(z_hbm.at[src_v.at[0]], b0, g0)
            pltpu.async_copy(z_hbm.at[src_v.at[1]], b1, g1)

            def body(i, carry):
                j0 = 2 * i
                wait_sem(b0, g0)
                pltpu.async_copy(b0, acc_sh.at[dst_v.at[j0]], s0, add=True)
                wait_sem(b1, g1)
                pltpu.async_copy(b1, acc_sh.at[dst_v.at[j0 + 1]], s1, add=True)

                @pl.when(i < PH // 2 - 1)
                def _():
                    wait_sem(b0, s0)
                    pltpu.async_copy(z_hbm.at[src_v.at[j0 + 2]], b0, g0)
                    wait_sem(b1, s1)
                    pltpu.async_copy(z_hbm.at[src_v.at[j0 + 3]], b1, g1)

                return carry

            lax.fori_loop(0, PH // 2, body, 0)
            wait_sem(b0, s0)
            wait_sem(b1, s1)

        phase(0)
        phase(PH)
        plsc.subcore_barrier()
        pltpu.sync_copy(
            acc_sh.at[pl.ds(s * EVAC, EVAC)],
            acc_hbm.at[pl.ds(c * NPAD + s * EVAC, EVAC)],
        )

    return _spmm


_spmm128 = _make_spmm(128)


@functools.partial(
    pl.kernel,
    out_type=jax.ShapeDtypeStruct((2 * NPAD, 128), jnp.float32),
    mesh=_mesh,
    scratch_types=[
        pltpu.VMEM((RPTD, 128), jnp.int32),
        pltpu.VMEM((RPTD, 128), jnp.int32),
        pltpu.VMEM((128, 128), jnp.float32),
        pltpu.VMEM((128, 128), jnp.float32),
        pltpu.VMEM_SHARED((NPAD, 128), jnp.float32),
        pltpu.SemaphoreType.DMA,
        pltpu.SemaphoreType.DMA,
        pltpu.SemaphoreType.DMA,
        pltpu.SemaphoreType.DMA,
    ],
)
def _spmm_split(
    z_hbm, src_hbm, dst_hbm, zeros_hbm, acc_hbm,
    src_v, dst_v, b0, b1, acc_sh, g0, g1, s0, s1,
):
    c = lax.axis_index("c")
    s = lax.axis_index("s")
    w = c * NS + s

    @pl.when(c == 0)
    def _():
        pltpu.sync_copy(
            z_hbm.at[pl.ds(s * EVAC, EVAC)], acc_sh.at[pl.ds(s * EVAC, EVAC)]
        )


    @pl.when(c == 1)
    def _():
        pltpu.sync_copy(zeros_hbm, acc_sh.at[pl.ds(s * EVAC, EVAC)])

    pltpu.sync_copy(src_hbm.at[c, pl.ds(w * RPTD, RPTD)], src_v)
    pltpu.sync_copy(dst_hbm.at[pl.ds(w * RPTD, RPTD)], dst_v)
    plsc.subcore_barrier()

    def wait_sem(buf, sem):
        pltpu.make_async_copy(z_hbm.at[pl.ds(0, 128)], buf, sem).wait()

    pltpu.async_copy(z_hbm.at[src_v.at[0]], b0, g0)
    pltpu.async_copy(z_hbm.at[src_v.at[1]], b1, g1)

    def body(i, carry):
        j0 = 2 * i
        wait_sem(b0, g0)
        pltpu.async_copy(b0, acc_sh.at[dst_v.at[j0]], s0, add=True)
        wait_sem(b1, g1)
        pltpu.async_copy(b1, acc_sh.at[dst_v.at[j0 + 1]], s1, add=True)

        @pl.when(i < RPTD // 2 - 1)
        def _():
            wait_sem(b0, s0)
            pltpu.async_copy(z_hbm.at[src_v.at[j0 + 2]], b0, g0)
            wait_sem(b1, s1)
            pltpu.async_copy(z_hbm.at[src_v.at[j0 + 3]], b1, g1)

        return carry

    lax.fori_loop(0, RPTD // 2, body, 0)
    wait_sem(b0, s0)
    wait_sem(b1, s1)
    plsc.subcore_barrier()
    pltpu.sync_copy(
        acc_sh.at[pl.ds(s * EVAC, EVAC)],
        acc_hbm.at[pl.ds(c * NPAD + s * EVAC, EVAC)],
    )


def _tc1_body(deg_ref, x_ref, w1_ref, z_ref, dinv_ref):
    dsum = jnp.sum(deg_ref[0], axis=1, keepdims=True) + jnp.sum(
        deg_ref[1], axis=1, keepdims=True
    )
    deg = dsum * (1.0 / DEGW) + 1.0
    dinv = 1.0 / jnp.sqrt(deg)
    dinv_ref[...] = dinv
    d10 = dinv[:N]
    z = jnp.dot(x_ref[...], w1_ref[...], preferred_element_type=jnp.float32) * d10
    z_ref[0, :N] = z[:, :128]
    z_ref[1, :N] = z[:, 128:]


_tc1 = pl.pallas_call(
    _tc1_body,
    out_shape=(
        jax.ShapeDtypeStruct((2, NPAD, 128), jnp.float32),
        jax.ShapeDtypeStruct((NPAD, 1), jnp.float32),
    ),
)


def _tc2_body(acc_ref, dinv_ref, b1_ref, w2_ref, z2_ref):
    d10 = dinv_ref[:N]
    accf = jnp.concatenate([acc_ref[0, :N], acc_ref[1, :N]], axis=1)
    h = jnp.maximum(accf * d10 + b1_ref[...][None, :], 0.0)
    z2 = jnp.dot(h, w2_ref[...], preferred_element_type=jnp.float32) * d10
    z2_ref[0, :N] = z2
    z2_ref[1, :N] = z2


_tc2 = pl.pallas_call(
    _tc2_body,
    out_shape=jax.ShapeDtypeStruct((2, NPAD, 128), jnp.float32),
)


def _tc3_body(acc_ref, dinv_ref, b2_ref, out_ref):
    d10 = dinv_ref[:N]
    out_ref[...] = (acc_ref[0, :N] + acc_ref[1, :N]) * d10 + b2_ref[...][None, :]


_tc3 = pl.pallas_call(
    _tc3_body,
    out_shape=jax.ShapeDtypeStruct((N, 128), jnp.float32),
)


def kernel(x, edge_index, W1, b1, W2, b2):
    src = edge_index[0]
    dst = edge_index[1]
    src_p = jnp.concatenate(
        [src, jnp.zeros((EPAD - E,), jnp.int32)]
    ).reshape(NROWS, 128)
    dst_p = jnp.concatenate(
        [dst, jnp.full((EPAD - E,), TRASH, jnp.int32)]
    ).reshape(NROWS, 128)
    src_both = jnp.stack([src_p, src_p + NPAD])
    ones128 = jnp.ones((128, DEGW), jnp.float32)
    zeros128 = jnp.zeros((EVAC, DEGW), jnp.float32)

    deg = _deg_kernel(dst_p, ones128, zeros128)
    z1p, dinv = _tc1(deg, x, W1)
    acc1 = _spmm128(z1p.reshape(2 * NPAD, 128), src_both, dst_p).reshape(2, NPAD, 128)
    z2p = _tc2(acc1, dinv, b1, W2)
    acc2 = _spmm_split(
        z2p.reshape(2 * NPAD, 128), src_both, dst_p, zeros128
    ).reshape(2, NPAD, 128)
    return _tc3(acc2, dinv, b2)

# --- scband reference (transcript-rebuilt; emitter-appended) ---
"""Pipeline reference for scband-encoder-61254823575997 (READ-ONLY COPY).

The authoritative reference and input builder live on the scoring server;
editing this copy changes nothing except your own understanding.
"""

import jax, jax.numpy as jnp
import numpy as np

N_NODES = 10000
N_EDGES = 160000
D_IN = 256
D_HID = 256  # 2 * out_channels
D_OUT = 128


def gcn_conv(x, edge_index, W, b, num_nodes):
    # Faithful PyG GCNConv: add self-loops, symmetric normalization, linear, scatter-add aggregate, bias
    src = edge_index[0]
    dst = edge_index[1]
    loop = jnp.arange(num_nodes, dtype=edge_index.dtype)
    src = jnp.concatenate([src, loop])
    dst = jnp.concatenate([dst, loop])
    ones = jnp.ones(src.shape[0], dtype=x.dtype)
    deg = jnp.zeros((num_nodes,), dtype=x.dtype).at[dst].add(ones)
    dinv = jnp.where(deg > 0, 1.0 / jnp.sqrt(deg), 0.0)
    norm = dinv[src] * dinv[dst]
    h = x @ W
    msgs = h[src] * norm[:, None]
    out = jnp.zeros((num_nodes, W.shape[1]), dtype=x.dtype).at[dst].add(msgs)
    return out + b


def setup_inputs(seed: int = 0) -> dict:
    key = jax.random.key(seed)
    k1, k2, k3, k4, k5, k6 = jax.random.split(key, 6)
    x = jax.random.normal(k1, (N_NODES, D_IN), dtype=jnp.float32)
    edge_index = jax.random.randint(k2, (2, N_EDGES), 0, N_NODES, dtype=jnp.int32)
    s1 = 1.0 / np.sqrt(D_IN)
    s2 = 1.0 / np.sqrt(D_HID)
    W1 = jax.random.uniform(k3, (D_IN, D_HID), dtype=jnp.float32, minval=-s1, maxval=s1)
    b1 = jnp.zeros((D_HID,), dtype=jnp.float32)
    W2 = jax.random.uniform(k4, (D_HID, D_OUT), dtype=jnp.float32, minval=-s2, maxval=s2)
    b2 = jnp.zeros((D_OUT,), dtype=jnp.float32)
    return {"x": x, "edge_index": edge_index, "W1": W1, "b1": b1, "W2": W2, "b2": b2}


def reference(x, edge_index, W1, b1, W2, b2):
    # dropout p=0.0 in eval mode -> identity
    h = gcn_conv(x, edge_index, W1, b1, x.shape[0])
    h = jax.nn.relu(h)
    out = gcn_conv(h, edge_index, W2, b2, x.shape[0])
    return out

if __name__ == "__main__":
    import jax
    _d = setup_inputs()
    print(jax.jit(kernel)(*tuple(_d.values())))

</pallas_src>

<mosaic_0001>
#map = affine_map<(d0, d1) -> (0, 0)>
#map1 = affine_map<(d0, d1) -> (0, 0, 0)>
module attributes {stable_mosaic.version = 14 : i64} {
  func.func @_spmm_split(%arg0: i32, %arg1: i32, %arg2: memref<20480x128xf32, #tpu.memory_space<hbm>>, %arg3: memref<2x1280x128xi32, #tpu.memory_space<hbm>>, %arg4: memref<1280x128xi32, #tpu.memory_space<hbm>>, %arg5: memref<640x128xf32, #tpu.memory_space<hbm>>, %arg6: memref<20480x128xf32, #tpu.memory_space<hbm>>, %arg7: memref<40x128xi32, #tpu.memory_space<vmem>>, %arg8: memref<40x128xi32, #tpu.memory_space<vmem>>, %arg9: memref<128x128xf32, #tpu.memory_space<vmem>>, %arg10: memref<128x128xf32, #tpu.memory_space<vmem>>, %arg11: memref<10240x128xf32, #tpu.memory_space<vmem_shared>>, %arg12: memref<!tpu.dma_semaphore, #tpu.memory_space<semaphore_mem>>, %arg13: memref<!tpu.dma_semaphore, #tpu.memory_space<semaphore_mem>>, %arg14: memref<!tpu.dma_semaphore, #tpu.memory_space<semaphore_mem>>, %arg15: memref<!tpu.dma_semaphore, #tpu.memory_space<semaphore_mem>>) attributes {dimension_semantics = [#tpu.dimension_semantics<core_parallel>, #tpu.dimension_semantics<subcore_parallel>], iteration_bounds = array<i64: 2, 16>, scalar_prefetch = 0 : i64, scratch_operands = 9 : i64, tpu.core_type = #tpu.core_type<sc_vector_subcore>, window_params = [{transform_indices = #map}, {transform_indices = #map1}, {transform_indices = #map}, {transform_indices = #map}, {transform_indices = #map}]} {
    %mul3A = arith.constant 16 : i32
    %mul3A_0 = arith.muli %arg0, %mul3A : i32
    %add3A = arith.addi %mul3A_0, %arg1 : i32
    %eq3A = arith.constant 0 : i32
    %eq3A_1 = arith.cmpi eq, %arg0, %eq3A : i32
    %convert_element_type3A = arith.extui %eq3A_1 : i1 to i32
    %cond3A = arith.constant 0 : i32
    %cond3A_2 = arith.cmpi ne, %convert_element_type3A, %cond3A : i32
    scf.if %cond3A_2 {
      %mul3A_49 = arith.constant 640 : i32
      %mul3A_50 = arith.muli %arg1, %mul3A_49 : i32
      %mul3A_51 = arith.constant 640 : i32
      %mul3A_52 = arith.muli %arg1, %mul3A_51 : i32
      "tpu.region"() ({
        %run_scoped3A = tpu.sem_alloc : memref<!tpu.dma_semaphore, #tpu.memory_space<semaphore_mem>>
        %dma_start3A_53 = arith.constant 0 : i32
        %dma_start3A_54 = tpu.memref_slice %arg11[%mul3A_52, %dma_start3A_53] : memref<10240x128xf32, #tpu.memory_space<vmem_shared>> -> memref<640x128xf32, #tpu.memory_space<vmem_shared>>
        %dma_start3A_55 = arith.constant 0 : i32
        %dma_start3A_56 = tpu.memref_slice %arg2[%mul3A_50, %dma_start3A_55] : memref<20480x128xf32, #tpu.memory_space<hbm>> -> memref<640x128xf32, #tpu.memory_space<hbm>>
        tpu.enqueue_dma source(%dma_start3A_56 : memref<640x128xf32, #tpu.memory_space<hbm>>) target(%dma_start3A_54 : memref<640x128xf32, #tpu.memory_space<vmem_shared>>) target_semaphore(%run_scoped3A : memref<!tpu.dma_semaphore, #tpu.memory_space<semaphore_mem>>)
        %dma_wait3A_57 = arith.constant 0 : i32
        %dma_wait3A_58 = tpu.memref_slice %arg11[%mul3A_52, %dma_wait3A_57] : memref<10240x128xf32, #tpu.memory_space<vmem_shared>> -> memref<640x128xf32, #tpu.memory_space<vmem_shared>>
        %dma_wait3A_59 = arith.constant 0 : i32
        %dma_wait3A_60 = tpu.memref_slice %arg2[%mul3A_50, %dma_wait3A_59] : memref<20480x128xf32, #tpu.memory_space<hbm>> -> memref<640x128xf32, #tpu.memory_space<hbm>>
        tpu.wait_dma2 semaphore(%run_scoped3A : memref<!tpu.dma_semaphore, #tpu.memory_space<semaphore_mem>>) src(%dma_wait3A_60 : memref<640x128xf32, #tpu.memory_space<hbm>>) dst(%dma_wait3A_58 : memref<640x128xf32, #tpu.memory_space<vmem_shared>>)
        tpu.yield
      }) : () -> ()
    } else {
    }
    %eq3A_3 = arith.constant 1 : i32
    %eq3A_4 = arith.cmpi eq, %arg0, %eq3A_3 : i32
    %convert_element_type3A_5 = arith.extui %eq3A_4 : i1 to i32
    %cond3A_6 = arith.constant 0 : i32
    %cond3A_7 = arith.cmpi ne, %convert_element_type3A_5, %cond3A_6 : i32
    scf.if %cond3A_7 {
      %mul3A_49 = arith.constant 640 : i32
      %mul3A_50 = arith.muli %arg1, %mul3A_49 : i32
      "tpu.region"() ({
        %run_scoped3A = tpu.sem_alloc : memref<!tpu.dma_semaphore, #tpu.memory_space<semaphore_mem>>
        %dma_start3A_51 = arith.constant 0 : i32
        %dma_start3A_52 = tpu.memref_slice %arg11[%mul3A_50, %dma_start3A_51] : memref<10240x128xf32, #tpu.memory_space<vmem_shared>> -> memref<640x128xf32, #tpu.memory_space<vmem_shared>>
        tpu.enqueue_dma source(%arg5 : memref<640x128xf32, #tpu.memory_space<hbm>>) target(%dma_start3A_52 : memref<640x128xf32, #tpu.memory_space<vmem_shared>>) target_semaphore(%run_scoped3A : memref<!tpu.dma_semaphore, #tpu.memory_space<semaphore_mem>>)
        %dma_wait3A_53 = arith.constant 0 : i32
        %dma_wait3A_54 = tpu.memref_slice %arg11[%mul3A_50, %dma_wait3A_53] : memref<10240x128xf32, #tpu.memory_space<vmem_shared>> -> memref<640x128xf32, #tpu.memory_space<vmem_shared>>
        tpu.wait_dma2 semaphore(%run_scoped3A : memref<!tpu.dma_semaphore, #tpu.memory_space<semaphore_mem>>) src(%arg5 : memref<640x128xf32, #tpu.memory_space<hbm>>) dst(%dma_wait3A_54 : memref<640x128xf32, #tpu.memory_space<vmem_shared>>)
        tpu.yield
      }) : () -> ()
    } else {
    }
    %mul3A_8 = arith.constant 40 : i32
    %mul3A_9 = arith.muli %add3A, %mul3A_8 : i32
    "tpu.region"() ({
      %run_scoped3A = tpu.sem_alloc : memref<!tpu.dma_semaphore, #tpu.memory_space<semaphore_mem>>
      %dma_start3A_49 = arith.constant 0 : i32
      %dma_start3A_50 = tpu.memref_slice %arg3[%arg0, %mul3A_9, %dma_start3A_49] : memref<2x1280x128xi32, #tpu.memory_space<hbm>> -> memref<1x40x128xi32, #tpu.memory_space<hbm>>
      %dma_start3A_51 = tpu.memref_squeeze %dma_start3A_50 : memref<1x40x128xi32, #tpu.memory_space<hbm>> -> memref<40x128xi32, #tpu.memory_space<hbm>>
      %dma_start3A_52 = arith.constant 0 : i32
      %dma_start3A_53 = tpu.memref_slice %arg3[%arg0, %mul3A_9, %dma_start3A_52] : memref<2x1280x128xi32, #tpu.memory_space<hbm>> -> memref<1x40x128xi32, #tpu.memory_space<hbm>>
      %dma_start3A_54 = tpu.memref_squeeze %dma_start3A_53 : memref<1x40x128xi32, #tpu.memory_space<hbm>> -> memref<40x128xi32, #tpu.memory_space<hbm>>
      tpu.enqueue_dma source(%dma_start3A_54 : memref<40x128xi32, #tpu.memory_space<hbm>>) target(%arg7 : memref<40x128xi32, #tpu.memory_space<vmem>>) target_semaphore(%run_scoped3A : memref<!tpu.dma_semaphore, #tpu.memory_space<semaphore_mem>>)
      %dma_wait3A_55 = arith.constant 0 : i32
      %dma_wait3A_56 = tpu.memref_slice %arg3[%arg0, %mul3A_9, %dma_wait3A_55] : memref<2x1280x128xi32, #tpu.memory_space<hbm>> -> memref<1x40x128xi32, #tpu.memory_space<hbm>>
      %dma_wait3A_57 = tpu.memref_squeeze %dma_wait3A_56 : memref<1x40x128xi32, #tpu.memory_space<hbm>> -> memref<40x128xi32, #tpu.memory_space<hbm>>
      %dma_wait3A_58 = arith.constant 0 : i32
      %dma_wait3A_59 = tpu.memref_slice %arg3[%arg0, %mul3A_9, %dma_wait3A_58] : memref<2x1280x128xi32, #tpu.memory_space<hbm>> -> memref<1x40x128xi32, #tpu.memory_space<hbm>>
      %dma_wait3A_60 = tpu.memref_squeeze %dma_wait3A_59 : memref<1x40x128xi32, #tpu.memory_space<hbm>> -> memref<40x128xi32, #tpu.memory_space<hbm>>
      tpu.wait_dma2 semaphore(%run_scoped3A : memref<!tpu.dma_semaphore, #tpu.memory_space<semaphore_mem>>) src(%dma_wait3A_60 : memref<40x128xi32, #tpu.memory_space<hbm>>) dst(%arg7 : memref<40x128xi32, #tpu.memory_space<vmem>>)
      tpu.yield
    }) : () -> ()
    %mul3A_10 = arith.constant 40 : i32
    %mul3A_11 = arith.muli %add3A, %mul3A_10 : i32
    "tpu.region"() ({
      %run_scoped3A = tpu.sem_alloc : memref<!tpu.dma_semaphore, #tpu.memory_space<semaphore_mem>>
      %dma_start3A_49 = arith.constant 0 : i32
      %dma_start3A_50 = tpu.memref_slice %arg4[%mul3A_11, %dma_start3A_49] : memref<1280x128xi32, #tpu.memory_space<hbm>> -> memref<40x128xi32, #tpu.memory_space<hbm>>
      %dma_start3A_51 = arith.constant 0 : i32
      %dma_start3A_52 = tpu.memref_slice %arg4[%mul3A_11, %dma_start3A_51] : memref<1280x128xi32, #tpu.memory_space<hbm>> -> memref<40x128xi32, #tpu.memory_space<hbm>>
      tpu.enqueue_dma source(%dma_start3A_52 : memref<40x128xi32, #tpu.memory_space<hbm>>) target(%arg8 : memref<40x128xi32, #tpu.memory_space<vmem>>) target_semaphore(%run_scoped3A : memref<!tpu.dma_semaphore, #tpu.memory_space<semaphore_mem>>)
      %dma_wait3A_53 = arith.constant 0 : i32
      %dma_wait3A_54 = tpu.memref_slice %arg4[%mul3A_11, %dma_wait3A_53] : memref<1280x128xi32, #tpu.memory_space<hbm>> -> memref<40x128xi32, #tpu.memory_space<hbm>>
      %dma_wait3A_55 = arith.constant 0 : i32
      %dma_wait3A_56 = tpu.memref_slice %arg4[%mul3A_11, %dma_wait3A_55] : memref<1280x128xi32, #tpu.memory_space<hbm>> -> memref<40x128xi32, #tpu.memory_space<hbm>>
      tpu.wait_dma2 semaphore(%run_scoped3A : memref<!tpu.dma_semaphore, #tpu.memory_space<semaphore_mem>>) src(%dma_wait3A_56 : memref<40x128xi32, #tpu.memory_space<hbm>>) dst(%arg8 : memref<40x128xi32, #tpu.memory_space<vmem>>)
      tpu.yield
    }) : () -> ()
    %barrier3A = arith.constant 0 : index
    tpu.barrier barrier_id(%barrier3A)
    %dma_start3A = arith.constant 0 : i32
    %dma_start3A_12 = arith.constant 0 : i32
    %dma_start3A_13 = tpu.memref_slice %arg7[%dma_start3A, %dma_start3A_12] : memref<40x128xi32, #tpu.memory_space<vmem>> -> memref<1x128xi32, #tpu.memory_space<vmem>>
    %dma_start3A_14 = tpu.memref_squeeze %dma_start3A_13 : memref<1x128xi32, #tpu.memory_space<vmem>> -> memref<128xi32, #tpu.memory_space<vmem>>
    %dma_start3A_15 = arith.constant 0 : i32
    %dma_start3A_16 = arith.constant 0 : i32
    %dma_start3A_17 = tpu.memref_slice %arg2[%dma_start3A_15, %dma_start3A_16] : memref<20480x128xf32, #tpu.memory_space<hbm>> -> memref<20480x128xf32, #tpu.memory_space<hbm>>
    tpu.enqueue_indirect_dma source(%dma_start3A_17 : memref<20480x128xf32, #tpu.memory_space<hbm>>) target(%arg9 : memref<128x128xf32, #tpu.memory_space<vmem>>) offsets(%dma_start3A_14 : memref<128xi32, #tpu.memory_space<vmem>>) semaphore(%arg12 : memref<!tpu.dma_semaphore, #tpu.memory_space<semaphore_mem>>)
    %dma_start3A_18 = arith.constant 1 : i32
    %dma_start3A_19 = arith.constant 0 : i32
    %dma_start3A_20 = tpu.memref_slice %arg7[%dma_start3A_18, %dma_start3A_19] : memref<40x128xi32, #tpu.memory_space<vmem>> -> memref<1x128xi32, #tpu.memory_space<vmem>>
    %dma_start3A_21 = tpu.memref_squeeze %dma_start3A_20 : memref<1x128xi32, #tpu.memory_space<vmem>> -> memref<128xi32, #tpu.memory_space<vmem>>
    %dma_start3A_22 = arith.constant 0 : i32
    %dma_start3A_23 = arith.constant 0 : i32
    %dma_start3A_24 = tpu.memref_slice %arg2[%dma_start3A_22, %dma_start3A_23] : memref<20480x128xf32, #tpu.memory_space<hbm>> -> memref<20480x128xf32, #tpu.memory_space<hbm>>
    tpu.enqueue_indirect_dma source(%dma_start3A_24 : memref<20480x128xf32, #tpu.memory_space<hbm>>) target(%arg10 : memref<128x128xf32, #tpu.memory_space<vmem>>) offsets(%dma_start3A_21 : memref<128xi32, #tpu.memory_space<vmem>>) semaphore(%arg13 : memref<!tpu.dma_semaphore, #tpu.memory_space<semaphore_mem>>)
    %scan3A = arith.constant 0 : i32
    %scan3A_25 = arith.constant 0 : i32
    %scan3A_26 = arith.constant 20 : i32
    %scan3A_27 = arith.addi %scan3A_25, %scan3A_26 : i32
    %scan3A_28 = arith.constant 1 : i32
    scf.for %scan3A_49 = %scan3A_25 to %scan3A_27 step %scan3A_28  : i32 {
      %mul3A_50 = arith.constant 2 : i32
      %mul3A_51 = arith.muli %mul3A_50, %scan3A_49 : i32
      %dma_wait3A_52 = arith.constant 0 : i32
      %dma_wait3A_53 = arith.constant 0 : i32
      %dma_wait3A_54 = tpu.memref_slice %arg2[%dma_wait3A_52, %dma_wait3A_53] : memref<20480x128xf32, #tpu.memory_space<hbm>> -> memref<128x128xf32, #tpu.memory_space<hbm>>
      %dma_wait3A_55 = arith.constant 0 : i32
      %dma_wait3A_56 = arith.constant 0 : i32
      %dma_wait3A_57 = tpu.memref_slice %arg2[%dma_wait3A_55, %dma_wait3A_56] : memref<20480x128xf32, #tpu.memory_space<hbm>> -> memref<128x128xf32, #tpu.memory_space<hbm>>
      tpu.wait_dma2 semaphore(%arg12 : memref<!tpu.dma_semaphore, #tpu.memory_space<semaphore_mem>>) src(%dma_wait3A_57 : memref<128x128xf32, #tpu.memory_space<hbm>>) dst(%arg9 : memref<128x128xf32, #tpu.memory_space<vmem>>)
      %dma_start3A_58 = arith.constant 0 : i32
      %dma_start3A_59 = tpu.memref_slice %arg8[%mul3A_51, %dma_start3A_58] : memref<40x128xi32, #tpu.memory_space<vmem>> -> memref<1x128xi32, #tpu.memory_space<vmem>>
      %dma_start3A_60 = tpu.memref_squeeze %dma_start3A_59 : memref<1x128xi32, #tpu.memory_space<vmem>> -> memref<128xi32, #tpu.memory_space<vmem>>
      %dma_start3A_61 = arith.constant 0 : i32
      %dma_start3A_62 = arith.constant 0 : i32
      %dma_start3A_63 = tpu.memref_slice %arg11[%dma_start3A_61, %dma_start3A_62] : memref<10240x128xf32, #tpu.memory_space<vmem_shared>> -> memref<10240x128xf32, #tpu.memory_space<vmem_shared>>
      tpu.enqueue_indirect_dma source(%arg9 : memref<128x128xf32, #tpu.memory_space<vmem>>) target(%dma_start3A_63 : memref<10240x128xf32, #tpu.memory_space<vmem_shared>>) offsets(%dma_start3A_60 : memref<128xi32, #tpu.memory_space<vmem>>) semaphore(%arg14 : memref<!tpu.dma_semaphore, #tpu.memory_space<semaphore_mem>>) {add = true}
      %dma_wait3A_64 = arith.constant 0 : i32
      %dma_wait3A_65 = arith.constant 0 : i32
      %dma_wait3A_66 = tpu.memref_slice %arg2[%dma_wait3A_64, %dma_wait3A_65] : memref<20480x128xf32, #tpu.memory_space<hbm>> -> memref<128x128xf32, #tpu.memory_space<hbm>>
      %dma_wait3A_67 = arith.constant 0 : i32
      %dma_wait3A_68 = arith.constant 0 : i32
      %dma_wait3A_69 = tpu.memref_slice %arg2[%dma_wait3A_67, %dma_wait3A_68] : memref<20480x128xf32, #tpu.memory_space<hbm>> -> memref<128x128xf32, #tpu.memory_space<hbm>>
      tpu.wait_dma2 semaphore(%arg13 : memref<!tpu.dma_semaphore, #tpu.memory_space<semaphore_mem>>) src(%dma_wait3A_69 : memref<128x128xf32, #tpu.memory_space<hbm>>) dst(%arg10 : memref<128x128xf32, #tpu.memory_space<vmem>>)
      %add3A_70 = arith.constant 1 : i32
      %add3A_71 = arith.addi %mul3A_51, %add3A_70 : i32
      %dma_start3A_72 = arith.constant 0 : i32
      %dma_start3A_73 = tpu.memref_slice %arg8[%add3A_71, %dma_start3A_72] : memref<40x128xi32, #tpu.memory_space<vmem>> -> memref<1x128xi32, #tpu.memory_space<vmem>>
      %dma_start3A_74 = tpu.memref_squeeze %dma_start3A_73 : memref<1x128xi32, #tpu.memory_space<vmem>> -> memref<128xi32, #tpu.memory_space<vmem>>
      %dma_start3A_75 = arith.constant 0 : i32
      %dma_start3A_76 = arith.constant 0 : i32
      %dma_start3A_77 = tpu.memref_slice %arg11[%dma_start3A_75, %dma_start3A_76] : memref<10240x128xf32, #tpu.memory_space<vmem_shared>> -> memref<10240x128xf32, #tpu.memory_space<vmem_shared>>
      tpu.enqueue_indirect_dma source(%arg10 : memref<128x128xf32, #tpu.memory_space<vmem>>) target(%dma_start3A_77 : memref<10240x128xf32, #tpu.memory_space<vmem_shared>>) offsets(%dma_start3A_74 : memref<128xi32, #tpu.memory_space<vmem>>) semaphore(%arg15 : memref<!tpu.dma_semaphore, #tpu.memory_space<semaphore_mem>>) {add = true}
      %lt3A = arith.constant 19 : i32
      %lt3A_78 = arith.cmpi slt, %scan3A_49, %lt3A : i32
      %convert_element_type3A_79 = arith.extui %lt3A_78 : i1 to i32
      %cond3A_80 = arith.constant 0 : i32
      %cond3A_81 = arith.cmpi ne, %convert_element_type3A_79, %cond3A_80 : i32
      scf.if %cond3A_81 {
        %dma_wait3A_82 = arith.constant 0 : i32
        %dma_wait3A_83 = arith.constant 0 : i32
        %dma_wait3A_84 = tpu.memref_slice %arg2[%dma_wait3A_82, %dma_wait3A_83] : memref<20480x128xf32, #tpu.memory_space<hbm>> -> memref<128x128xf32, #tpu.memory_space<hbm>>
        %dma_wait3A_85 = arith.constant 0 : i32
        %dma_wait3A_86 = arith.constant 0 : i32
        %dma_wait3A_87 = tpu.memref_slice %arg2[%dma_wait3A_85, %dma_wait3A_86] : memref<20480x128xf32, #tpu.memory_space<hbm>> -> memref<128x128xf32, #tpu.memory_space<hbm>>
        tpu.wait_dma2 semaphore(%arg14 : memref<!tpu.dma_semaphore, #tpu.memory_space<semaphore_mem>>) src(%dma_wait3A_87 : memref<128x128xf32, #tpu.memory_space<hbm>>) dst(%arg9 : memref<128x128xf32, #tpu.memory_space<vmem>>)
        %add3A_88 = arith.constant 2 : i32
        %add3A_89 = arith.addi %mul3A_51, %add3A_88 : i32
        %dma_start3A_90 = arith.constant 0 : i32
        %dma_start3A_91 = tpu.memref_slice %arg7[%add3A_89, %dma_start3A_90] : memref<40x128xi32, #tpu.memory_space<vmem>> -> memref<1x128xi32, #tpu.memory_space<vmem>>
        %dma_start3A_92 = tpu.memref_squeeze %dma_start3A_91 : memref<1x128xi32, #tpu.memory_space<vmem>> -> memref<128xi32, #tpu.memory_space<vmem>>
        %dma_start3A_93 = arith.constant 0 : i32
        %dma_start3A_94 = arith.constant 0 : i32
        %dma_start3A_95 = tpu.memref_slice %arg2[%dma_start3A_93, %dma_start3A_94] : memref<20480x128xf32, #tpu.memory_space<hbm>> -> memref<20480x128xf32, #tpu.memory_space<hbm>>
        tpu.enqueue_indirect_dma source(%dma_start3A_95 : memref<20480x128xf32, #tpu.memory_space<hbm>>) target(%arg9 : memref<128x128xf32, #tpu.memory_space<vmem>>) offsets(%dma_start3A_92 : memref<128xi32, #tpu.memory_space<vmem>>) semaphore(%arg12 : memref<!tpu.dma_semaphore, #tpu.memory_space<semaphore_mem>>)
        %dma_wait3A_96 = arith.constant 0 : i32
        %dma_wait3A_97 = arith.constant 0 : i32
        %dma_wait3A_98 = tpu.memref_slice %arg2[%dma_wait3A_96, %dma_wait3A_97] : memref<20480x128xf32, #tpu.memory_space<hbm>> -> memref<128x128xf32, #tpu.memory_space<hbm>>
        %dma_wait3A_99 = arith.constant 0 : i32
        %dma_wait3A_100 = arith.constant 0 : i32
        %dma_wait3A_101 = tpu.memref_slice %arg2[%dma_wait3A_99, %dma_wait3A_100] : memref<20480x128xf32, #tpu.memory_space<hbm>> -> memref<128x128xf32, #tpu.memory_space<hbm>>
        tpu.wait_dma2 semaphore(%arg15 : memref<!tpu.dma_semaphore, #tpu.memory_space<semaphore_mem>>) src(%dma_wait3A_101 : memref<128x128xf32, #tpu.memory_space<hbm>>) dst(%arg10 : memref<128x128xf32, #tpu.memory_space<vmem>>)
        %add3A_102 = arith.constant 3 : i32
        %add3A_103 = arith.addi %mul3A_51, %add3A_102 : i32
        %dma_start3A_104 = arith.constant 0 : i32
        %dma_start3A_105 = tpu.memref_slice %arg7[%add3A_103, %dma_start3A_104] : memref<40x128xi32, #tpu.memory_space<vmem>> -> memref<1x128xi32, #tpu.memory_space<vmem>>
        %dma_start3A_106 = tpu.memref_squeeze %dma_start3A_105 : memref<1x128xi32, #tpu.memory_space<vmem>> -> memref<128xi32, #tpu.memory_space<vmem>>
        %dma_start3A_107 = arith.constant 0 : i32
        %dma_start3A_108 = arith.constant 0 : i32
        %dma_start3A_109 = tpu.memref_slice %arg2[%dma_start3A_107, %dma_start3A_108] : memref<20480x128xf32, #tpu.memory_space<hbm>> -> memref<20480x128xf32, #tpu.memory_space<hbm>>
        tpu.enqueue_indirect_dma source(%dma_start3A_109 : memref<20480x128xf32, #tpu.memory_space<hbm>>) target(%arg10 : memref<128x128xf32, #tpu.memory_space<vmem>>) offsets(%dma_start3A_106 : memref<128xi32, #tpu.memory_space<vmem>>) semaphore(%arg13 : memref<!tpu.dma_semaphore, #tpu.memory_space<semaphore_mem>>)
      } else {
      }
    }
    %scan3A_29 = arith.constant 20 : i32
    %dma_wait3A = arith.constant 0 : i32
    %dma_wait3A_30 = arith.constant 0 : i32
    %dma_wait3A_31 = tpu.memref_slice %arg2[%dma_wait3A, %dma_wait3A_30] : memref<20480x128xf32, #tpu.memory_space<hbm>> -> memref<128x128xf32, #tpu.memory_space<hbm>>
    %dma_wait3A_32 = arith.constant 0 : i32
    %dma_wait3A_33 = arith.constant 0 : i32
    %dma_wait3A_34 = tpu.memref_slice %arg2[%dma_wait3A_32, %dma_wait3A_33] : memref<20480x128xf32, #tpu.memory_space<hbm>> -> memref<128x128xf32, #tpu.memory_space<hbm>>
    tpu.wait_dma2 semaphore(%arg14 : memref<!tpu.dma_semaphore, #tpu.memory_space<semaphore_mem>>) src(%dma_wait3A_34 : memref<128x128xf32, #tpu.memory_space<hbm>>) dst(%arg9 : memref<128x128xf32, #tpu.memory_space<vmem>>)
    %dma_wait3A_35 = arith.constant 0 : i32
    %dma_wait3A_36 = arith.constant 0 : i32
    %dma_wait3A_37 = tpu.memref_slice %arg2[%dma_wait3A_35, %dma_wait3A_36] : memref<20480x128xf32, #tpu.memory_space<hbm>> -> memref<128x128xf32, #tpu.memory_space<hbm>>
    %dma_wait3A_38 = arith.constant 0 : i32
    %dma_wait3A_39 = arith.constant 0 : i32
    %dma_wait3A_40 = tpu.memref_slice %arg2[%dma_wait3A_38, %dma_wait3A_39] : memref<20480x128xf32, #tpu.memory_space<hbm>> -> memref<128x128xf32, #tpu.memory_space<hbm>>
    tpu.wait_dma2 semaphore(%arg15 : memref<!tpu.dma_semaphore, #tpu.memory_space<semaphore_mem>>) src(%dma_wait3A_40 : memref<128x128xf32, #tpu.memory_space<hbm>>) dst(%arg10 : memref<128x128xf32, #tpu.memory_space<vmem>>)
    %barrier3A_41 = arith.constant 0 : index
    tpu.barrier barrier_id(%barrier3A_41)
    %mul3A_42 = arith.constant 640 : i32
    %mul3A_43 = arith.muli %arg1, %mul3A_42 : i32
    %mul3A_44 = arith.constant 10240 : i32
    %mul3A_45 = arith.muli %arg0, %mul3A_44 : i32
    %mul3A_46 = arith.constant 640 : i32
    %mul3A_47 = arith.muli %arg1, %mul3A_46 : i32
    %add3A_48 = arith.addi %mul3A_45, %mul3A_47 : i32
    "tpu.region"() ({
      %run_scoped3A = tpu.sem_alloc : memref<!tpu.dma_semaphore, #tpu.memory_space<semaphore_mem>>
      %dma_start3A_49 = arith.constant 0 : i32
      %dma_start3A_50 = tpu.memref_slice %arg6[%add3A_48, %dma_start3A_49] : memref<20480x128xf32, #tpu.memory_space<hbm>> -> memref<640x128xf32, #tpu.memory_space<hbm>>
      %dma_start3A_51 = arith.constant 0 : i32
      %dma_start3A_52 = tpu.memref_slice %arg11[%mul3A_43, %dma_start3A_51] : memref<10240x128xf32, #tpu.memory_space<vmem_shared>> -> memref<640x128xf32, #tpu.memory_space<vmem_shared>>
      tpu.enqueue_dma source(%dma_start3A_52 : memref<640x128xf32, #tpu.memory_space<vmem_shared>>) target(%dma_start3A_50 : memref<640x128xf32, #tpu.memory_space<hbm>>) target_semaphore(%run_scoped3A : memref<!tpu.dma_semaphore, #tpu.memory_space<semaphore_mem>>)
      %dma_wait3A_53 = arith.constant 0 : i32
      %dma_wait3A_54 = tpu.memref_slice %arg6[%add3A_48, %dma_wait3A_53] : memref<20480x128xf32, #tpu.memory_space<hbm>> -> memref<640x128xf32, #tpu.memory_space<hbm>>
      %dma_wait3A_55 = arith.constant 0 : i32
      %dma_wait3A_56 = tpu.memref_slice %arg11[%mul3A_43, %dma_wait3A_55] : memref<10240x128xf32, #tpu.memory_space<vmem_shared>> -> memref<640x128xf32, #tpu.memory_space<vmem_shared>>
      tpu.wait_dma2 semaphore(%run_scoped3A : memref<!tpu.dma_semaphore, #tpu.memory_space<semaphore_mem>>) src(%dma_wait3A_56 : memref<640x128xf32, #tpu.memory_space<vmem_shared>>) dst(%dma_wait3A_54 : memref<640x128xf32, #tpu.memory_space<hbm>>)
      tpu.yield
    }) : () -> ()
    return
  }
}

#map = affine_map<(d0, d1) -> (0, 0)>
#map1 = affine_map<(d0, d1) -> (0, 0, 0)>
module attributes {stable_mosaic.version = 14 : i64} {
  func.func @_deg_kernel(%arg0: i32, %arg1: i32, %arg2: memref<1280x128xi32, #tpu.memory_space<hbm>>, %arg3: memref<128x128xf32, #tpu.memory_space<hbm>>, %arg4: memref<640x128xf32, #tpu.memory_space<hbm>>, %arg5: memref<2x10240x128xf32, #tpu.memory_space<hbm>>, %arg6: memref<40x128xi32, #tpu.memory_space<vmem>>, %arg7: memref<128x128xf32, #tpu.memory_space<vmem>>, %arg8: memref<10240x128xf32, #tpu.memory_space<vmem_shared>>, %arg9: memref<!tpu.dma_semaphore, #tpu.memory_space<semaphore_mem>>) attributes {dimension_semantics = [#tpu.dimension_semantics<core_parallel>, #tpu.dimension_semantics<subcore_parallel>], iteration_bounds = array<i64: 2, 16>, scalar_prefetch = 0 : i64, scratch_operands = 4 : i64, tpu.core_type = #tpu.core_type<sc_vector_subcore>, window_params = [{transform_indices = #map}, {transform_indices = #map}, {transform_indices = #map}, {transform_indices = #map1}]} {
    %mul3A = arith.constant 16 : i32
    %mul3A_0 = arith.muli %arg0, %mul3A : i32
    %add3A = arith.addi %mul3A_0, %arg1 : i32
    "tpu.region"() ({
      %run_scoped3A = tpu.sem_alloc : memref<!tpu.dma_semaphore, #tpu.memory_space<semaphore_mem>>
      tpu.enqueue_dma source(%arg3 : memref<128x128xf32, #tpu.memory_space<hbm>>) target(%arg7 : memref<128x128xf32, #tpu.memory_space<vmem>>) target_semaphore(%run_scoped3A : memref<!tpu.dma_semaphore, #tpu.memory_space<semaphore_mem>>)
      tpu.wait_dma2 semaphore(%run_scoped3A : memref<!tpu.dma_semaphore, #tpu.memory_space<semaphore_mem>>) src(%arg3 : memref<128x128xf32, #tpu.memory_space<hbm>>) dst(%arg7 : memref<128x128xf32, #tpu.memory_space<vmem>>)
      tpu.yield
    }) : () -> ()
    %mul3A_1 = arith.constant 40 : i32
    %mul3A_2 = arith.muli %add3A, %mul3A_1 : i32
    "tpu.region"() ({
      %run_scoped3A = tpu.sem_alloc : memref<!tpu.dma_semaphore, #tpu.memory_space<semaphore_mem>>
      %dma_start3A = arith.constant 0 : i32
      %dma_start3A_21 = tpu.memref_slice %arg2[%mul3A_2, %dma_start3A] : memref<1280x128xi32, #tpu.memory_space<hbm>> -> memref<40x128xi32, #tpu.memory_space<hbm>>
      %dma_start3A_22 = arith.constant 0 : i32
      %dma_start3A_23 = tpu.memref_slice %arg2[%mul3A_2, %dma_start3A_22] : memref<1280x128xi32, #tpu.memory_space<hbm>> -> memref<40x128xi32, #tpu.memory_space<hbm>>
      tpu.enqueue_dma source(%dma_start3A_23 : memref<40x128xi32, #tpu.memory_space<hbm>>) target(%arg6 : memref<40x128xi32, #tpu.memory_space<vmem>>) target_semaphore(%run_scoped3A : memref<!tpu.dma_semaphore, #tpu.memory_space<semaphore_mem>>)
      %dma_wait3A = arith.constant 0 : i32
      %dma_wait3A_24 = tpu.memref_slice %arg2[%mul3A_2, %dma_wait3A] : memref<1280x128xi32, #tpu.memory_space<hbm>> -> memref<40x128xi32, #tpu.memory_space<hbm>>
      %dma_wait3A_25 = arith.constant 0 : i32
      %dma_wait3A_26 = tpu.memref_slice %arg2[%mul3A_2, %dma_wait3A_25] : memref<1280x128xi32, #tpu.memory_space<hbm>> -> memref<40x128xi32, #tpu.memory_space<hbm>>
      tpu.wait_dma2 semaphore(%run_scoped3A : memref<!tpu.dma_semaphore, #tpu.memory_space<semaphore_mem>>) src(%dma_wait3A_26 : memref<40x128xi32, #tpu.memory_space<hbm>>) dst(%arg6 : memref<40x128xi32, #tpu.memory_space<vmem>>)
      tpu.yield
    }) : () -> ()
    %mul3A_3 = arith.constant 640 : i32
    %mul3A_4 = arith.muli %arg1, %mul3A_3 : i32
    "tpu.region"() ({
      %run_scoped3A = tpu.sem_alloc : memref<!tpu.dma_semaphore, #tpu.memory_space<semaphore_mem>>
      %dma_start3A = arith.constant 0 : i32
      %dma_start3A_21 = tpu.memref_slice %arg8[%mul3A_4, %dma_start3A] : memref<10240x128xf32, #tpu.memory_space<vmem_shared>> -> memref<640x128xf32, #tpu.memory_space<vmem_shared>>
      tpu.enqueue_dma source(%arg4 : memref<640x128xf32, #tpu.memory_space<hbm>>) target(%dma_start3A_21 : memref<640x128xf32, #tpu.memory_space<vmem_shared>>) target_semaphore(%run_scoped3A : memref<!tpu.dma_semaphore, #tpu.memory_space<semaphore_mem>>)
      %dma_wait3A = arith.constant 0 : i32
      %dma_wait3A_22 = tpu.memref_slice %arg8[%mul3A_4, %dma_wait3A] : memref<10240x128xf32, #tpu.memory_space<vmem_shared>> -> memref<640x128xf32, #tpu.memory_space<vmem_shared>>
      tpu.wait_dma2 semaphore(%run_scoped3A : memref<!tpu.dma_semaphore, #tpu.memory_space<semaphore_mem>>) src(%arg4 : memref<640x128xf32, #tpu.memory_space<hbm>>) dst(%dma_wait3A_22 : memref<640x128xf32, #tpu.memory_space<vmem_shared>>)
      tpu.yield
    }) : () -> ()
    %barrier3A = arith.constant 0 : index
    tpu.barrier barrier_id(%barrier3A)
    %scan3A = arith.constant 0 : i32
    %scan3A_5 = arith.constant 0 : i32
    %scan3A_6 = arith.constant 40 : i32
    %scan3A_7 = arith.addi %scan3A_5, %scan3A_6 : i32
    %scan3A_8 = arith.constant 1 : i32
    scf.for %scan3A_21 = %scan3A_5 to %scan3A_7 step %scan3A_8  : i32 {
      %dma_start3A = arith.constant 0 : i32
      %dma_start3A_22 = tpu.memref_slice %arg6[%scan3A_21, %dma_start3A] : memref<40x128xi32, #tpu.memory_space<vmem>> -> memref<1x128xi32, #tpu.memory_space<vmem>>
      %dma_start3A_23 = tpu.memref_squeeze %dma_start3A_22 : memref<1x128xi32, #tpu.memory_space<vmem>> -> memref<128xi32, #tpu.memory_space<vmem>>
      %dma_start3A_24 = arith.constant 0 : i32
      %dma_start3A_25 = arith.constant 0 : i32
      %dma_start3A_26 = tpu.memref_slice %arg8[%dma_start3A_24, %dma_start3A_25] : memref<10240x128xf32, #tpu.memory_space<vmem_shared>> -> memref<10240x128xf32, #tpu.memory_space<vmem_shared>>
      tpu.enqueue_indirect_dma source(%arg7 : memref<128x128xf32, #tpu.memory_space<vmem>>) target(%dma_start3A_26 : memref<10240x128xf32, #tpu.memory_space<vmem_shared>>) offsets(%dma_start3A_23 : memref<128xi32, #tpu.memory_space<vmem>>) semaphore(%arg9 : memref<!tpu.dma_semaphore, #tpu.memory_space<semaphore_mem>>) {add = true}
    }
    %scan3A_9 = arith.constant 40 : i32
    %scan3A_10 = arith.constant 0 : i32
    %scan3A_11 = arith.constant 0 : i32
    %scan3A_12 = arith.constant 40 : i32
    %scan3A_13 = arith.addi %scan3A_11, %scan3A_12 : i32
    %scan3A_14 = arith.constant 1 : i32
    scf.for %scan3A_21 = %scan3A_11 to %scan3A_13 step %scan3A_14  : i32 {
      tpu.wait_dma2 semaphore(%arg9 : memref<!tpu.dma_semaphore, #tpu.memory_space<semaphore_mem>>) src(%arg3 : memref<128x128xf32, #tpu.memory_space<hbm>>) dst(%arg7 : memref<128x128xf32, #tpu.memory_space<vmem>>)
    }
    %scan3A_15 = arith.constant 40 : i32
    %barrier3A_16 = arith.constant 0 : index
    tpu.barrier barrier_id(%barrier3A_16)
    %mul3A_17 = arith.constant 640 : i32
    %mul3A_18 = arith.muli %arg1, %mul3A_17 : i32
    %mul3A_19 = arith.constant 640 : i32
    %mul3A_20 = arith.muli %arg1, %mul3A_19 : i32
    "tpu.region"() ({
      %run_scoped3A = tpu.sem_alloc : memref<!tpu.dma_semaphore, #tpu.memory_space<semaphore_mem>>
      %dma_start3A = arith.constant 0 : i32
      %dma_start3A_21 = tpu.memref_slice %arg5[%arg0, %mul3A_20, %dma_start3A] : memref<2x10240x128xf32, #tpu.memory_space<hbm>> -> memref<1x640x128xf32, #tpu.memory_space<hbm>>
      %dma_start3A_22 = tpu.memref_squeeze %dma_start3A_21 : memref<1x640x128xf32, #tpu.memory_space<hbm>> -> memref<640x128xf32, #tpu.memory_space<hbm>>
      %dma_start3A_23 = arith.constant 0 : i32
      %dma_start3A_24 = tpu.memref_slice %arg8[%mul3A_18, %dma_start3A_23] : memref<10240x128xf32, #tpu.memory_space<vmem_shared>> -> memref<640x128xf32, #tpu.memory_space<vmem_shared>>
      tpu.enqueue_dma source(%dma_start3A_24 : memref<640x128xf32, #tpu.memory_space<vmem_shared>>) target(%dma_start3A_22 : memref<640x128xf32, #tpu.memory_space<hbm>>) target_semaphore(%run_scoped3A : memref<!tpu.dma_semaphore, #tpu.memory_space<semaphore_mem>>)
      %dma_wait3A = arith.constant 0 : i32
      %dma_wait3A_25 = tpu.memref_slice %arg5[%arg0, %mul3A_20, %dma_wait3A] : memref<2x10240x128xf32, #tpu.memory_space<hbm>> -> memref<1x640x128xf32, #tpu.memory_space<hbm>>
      %dma_wait3A_26 = tpu.memref_squeeze %dma_wait3A_25 : memref<1x640x128xf32, #tpu.memory_space<hbm>> -> memref<640x128xf32, #tpu.memory_space<hbm>>
      %dma_wait3A_27 = arith.constant 0 : i32
      %dma_wait3A_28 = tpu.memref_slice %arg8[%mul3A_18, %dma_wait3A_27] : memref<10240x128xf32, #tpu.memory_space<vmem_shared>> -> memref<640x128xf32, #tpu.memory_space<vmem_shared>>
      tpu.wait_dma2 semaphore(%run_scoped3A : memref<!tpu.dma_semaphore, #tpu.memory_space<semaphore_mem>>) src(%dma_wait3A_28 : memref<640x128xf32, #tpu.memory_space<vmem_shared>>) dst(%dma_wait3A_26 : memref<640x128xf32, #tpu.memory_space<hbm>>)
      tpu.yield
    }) : () -> ()
    return
  }
}

#map = affine_map<(d0, d1) -> (0, 0)>
#map1 = affine_map<(d0, d1) -> (0, 0, 0)>
module attributes {stable_mosaic.version = 14 : i64} {
  func.func @_spmm(%arg0: i32, %arg1: i32, %arg2: memref<20480x128xf32, #tpu.memory_space<hbm>>, %arg3: memref<2x1280x128xi32, #tpu.memory_space<hbm>>, %arg4: memref<1280x128xi32, #tpu.memory_space<hbm>>, %arg5: memref<20480x128xf32, #tpu.memory_space<hbm>>, %arg6: memref<40x128xi32, #tpu.memory_space<vmem>>, %arg7: memref<40x128xi32, #tpu.memory_space<vmem>>, %arg8: memref<128x128xf32, #tpu.memory_space<vmem>>, %arg9: memref<128x128xf32, #tpu.memory_space<vmem>>, %arg10: memref<10240x128xf32, #tpu.memory_space<vmem_shared>>, %arg11: memref<!tpu.dma_semaphore, #tpu.memory_space<semaphore_mem>>, %arg12: memref<!tpu.dma_semaphore, #tpu.memory_space<semaphore_mem>>, %arg13: memref<!tpu.dma_semaphore, #tpu.memory_space<semaphore_mem>>, %arg14: memref<!tpu.dma_semaphore, #tpu.memory_space<semaphore_mem>>) attributes {dimension_semantics = [#tpu.dimension_semantics<core_parallel>, #tpu.dimension_semantics<subcore_parallel>], iteration_bounds = array<i64: 2, 16>, scalar_prefetch = 0 : i64, scratch_operands = 9 : i64, tpu.core_type = #tpu.core_type<sc_vector_subcore>, window_params = [{transform_indices = #map}, {transform_indices = #map1}, {transform_indices = #map}, {transform_indices = #map}]} {
    %mul3A = arith.constant 10240 : i32
    %mul3A_0 = arith.muli %arg0, %mul3A : i32
    %mul3A_1 = arith.constant 640 : i32
    %mul3A_2 = arith.muli %arg1, %mul3A_1 : i32
    %add3A = arith.addi %mul3A_0, %mul3A_2 : i32
    %mul3A_3 = arith.constant 640 : i32
    %mul3A_4 = arith.muli %arg1, %mul3A_3 : i32
    "tpu.region"() ({
      %run_scoped3A = tpu.sem_alloc : memref<!tpu.dma_semaphore, #tpu.memory_space<semaphore_mem>>
      %dma_start3A_90 = arith.constant 0 : i32
      %dma_start3A_91 = tpu.memref_slice %arg10[%mul3A_4, %dma_start3A_90] : memref<10240x128xf32, #tpu.memory_space<vmem_shared>> -> memref<640x128xf32, #tpu.memory_space<vmem_shared>>
      %dma_start3A_92 = arith.constant 0 : i32
      %dma_start3A_93 = tpu.memref_slice %arg2[%add3A, %dma_start3A_92] : memref<20480x128xf32, #tpu.memory_space<hbm>> -> memref<640x128xf32, #tpu.memory_space<hbm>>
      tpu.enqueue_dma source(%dma_start3A_93 : memref<640x128xf32, #tpu.memory_space<hbm>>) target(%dma_start3A_91 : memref<640x128xf32, #tpu.memory_space<vmem_shared>>) target_semaphore(%run_scoped3A : memref<!tpu.dma_semaphore, #tpu.memory_space<semaphore_mem>>)
      %dma_wait3A_94 = arith.constant 0 : i32
      %dma_wait3A_95 = tpu.memref_slice %arg10[%mul3A_4, %dma_wait3A_94] : memref<10240x128xf32, #tpu.memory_space<vmem_shared>> -> memref<640x128xf32, #tpu.memory_space<vmem_shared>>
      %dma_wait3A_96 = arith.constant 0 : i32
      %dma_wait3A_97 = tpu.memref_slice %arg2[%add3A, %dma_wait3A_96] : memref<20480x128xf32, #tpu.memory_space<hbm>> -> memref<640x128xf32, #tpu.memory_space<hbm>>
      tpu.wait_dma2 semaphore(%run_scoped3A : memref<!tpu.dma_semaphore, #tpu.memory_space<semaphore_mem>>) src(%dma_wait3A_97 : memref<640x128xf32, #tpu.memory_space<hbm>>) dst(%dma_wait3A_95 : memref<640x128xf32, #tpu.memory_space<vmem_shared>>)
      tpu.yield
    }) : () -> ()
    %barrier3A = arith.constant 0 : index
    tpu.barrier barrier_id(%barrier3A)
    %mul3A_5 = arith.constant 80 : i32
    %mul3A_6 = arith.muli %arg1, %mul3A_5 : i32
    %add3A_7 = arith.constant 0 : i32
    %add3A_8 = arith.addi %mul3A_6, %add3A_7 : i32
    "tpu.region"() ({
      %run_scoped3A = tpu.sem_alloc : memref<!tpu.dma_semaphore, #tpu.memory_space<semaphore_mem>>
      %dma_start3A_90 = arith.constant 0 : i32
      %dma_start3A_91 = tpu.memref_slice %arg3[%arg0, %add3A_8, %dma_start3A_90] : memref<2x1280x128xi32, #tpu.memory_space<hbm>> -> memref<1x40x128xi32, #tpu.memory_space<hbm>>
      %dma_start3A_92 = tpu.memref_squeeze %dma_start3A_91 : memref<1x40x128xi32, #tpu.memory_space<hbm>> -> memref<40x128xi32, #tpu.memory_space<hbm>>
      %dma_start3A_93 = arith.constant 0 : i32
      %dma_start3A_94 = tpu.memref_slice %arg3[%arg0, %add3A_8, %dma_start3A_93] : memref<2x1280x128xi32, #tpu.memory_space<hbm>> -> memref<1x40x128xi32, #tpu.memory_space<hbm>>
      %dma_start3A_95 = tpu.memref_squeeze %dma_start3A_94 : memref<1x40x128xi32, #tpu.memory_space<hbm>> -> memref<40x128xi32, #tpu.memory_space<hbm>>
      tpu.enqueue_dma source(%dma_start3A_95 : memref<40x128xi32, #tpu.memory_space<hbm>>) target(%arg6 : memref<40x128xi32, #tpu.memory_space<vmem>>) target_semaphore(%run_scoped3A : memref<!tpu.dma_semaphore, #tpu.memory_space<semaphore_mem>>)
      %dma_wait3A_96 = arith.constant 0 : i32
      %dma_wait3A_97 = tpu.memref_slice %arg3[%arg0, %add3A_8, %dma_wait3A_96] : memref<2x1280x128xi32, #tpu.memory_space<hbm>> -> memref<1x40x128xi32, #tpu.memory_space<hbm>>
      %dma_wait3A_98 = tpu.memref_squeeze %dma_wait3A_97 : memref<1x40x128xi32, #tpu.memory_space<hbm>> -> memref<40x128xi32, #tpu.memory_space<hbm>>
      %dma_wait3A_99 = arith.constant 0 : i32
      %dma_wait3A_100 = tpu.memref_slice %arg3[%arg0, %add3A_8, %dma_wait3A_99] : memref<2x1280x128xi32, #tpu.memory_space<hbm>> -> memref<1x40x128xi32, #tpu.memory_space<hbm>>
      %dma_wait3A_101 = tpu.memref_squeeze %dma_wait3A_100 : memref<1x40x128xi32, #tpu.memory_space<hbm>> -> memref<40x128xi32, #tpu.memory_space<hbm>>
      tpu.wait_dma2 semaphore(%run_scoped3A : memref<!tpu.dma_semaphore, #tpu.memory_space<semaphore_mem>>) src(%dma_wait3A_101 : memref<40x128xi32, #tpu.memory_space<hbm>>) dst(%arg6 : memref<40x128xi32, #tpu.memory_space<vmem>>)
      tpu.yield
    }) : () -> ()
    %mul3A_9 = arith.constant 80 : i32
    %mul3A_10 = arith.muli %arg1, %mul3A_9 : i32
    %add3A_11 = arith.constant 0 : i32
    %add3A_12 = arith.addi %mul3A_10, %add3A_11 : i32
    "tpu.region"() ({
      %run_scoped3A = tpu.sem_alloc : memref<!tpu.dma_semaphore, #tpu.memory_space<semaphore_mem>>
      %dma_start3A_90 = arith.constant 0 : i32
      %dma_start3A_91 = tpu.memref_slice %arg4[%add3A_12, %dma_start3A_90] : memref<1280x128xi32, #tpu.memory_space<hbm>> -> memref<40x128xi32, #tpu.memory_space<hbm>>
      %dma_start3A_92 = arith.constant 0 : i32
      %dma_start3A_93 = tpu.memref_slice %arg4[%add3A_12, %dma_start3A_92] : memref<1280x128xi32, #tpu.memory_space<hbm>> -> memref<40x128xi32, #tpu.memory_space<hbm>>
      tpu.enqueue_dma source(%dma_start3A_93 : memref<40x128xi32, #tpu.memory_space<hbm>>) target(%arg7 : memref<40x128xi32, #tpu.memory_space<vmem>>) target_semaphore(%run_scoped3A : memref<!tpu.dma_semaphore, #tpu.memory_space<semaphore_mem>>)
      %dma_wait3A_94 = arith.constant 0 : i32
      %dma_wait3A_95 = tpu.memref_slice %arg4[%add3A_12, %dma_wait3A_94] : memref<1280x128xi32, #tpu.memory_space<hbm>> -> memref<40x128xi32, #tpu.memory_space<hbm>>
      %dma_wait3A_96 = arith.constant 0 : i32
      %dma_wait3A_97 = tpu.memref_slice %arg4[%add3A_12, %dma_wait3A_96] : memref<1280x128xi32, #tpu.memory_space<hbm>> -> memref<40x128xi32, #tpu.memory_space<hbm>>
      tpu.wait_dma2 semaphore(%run_scoped3A : memref<!tpu.dma_semaphore, #tpu.memory_space<semaphore_mem>>) src(%dma_wait3A_97 : memref<40x128xi32, #tpu.memory_space<hbm>>) dst(%arg7 : memref<40x128xi32, #tpu.memory_space<vmem>>)
      tpu.yield
    }) : () -> ()
    %dma_start3A = arith.constant 0 : i32
    %dma_start3A_13 = arith.constant 0 : i32
    %dma_start3A_14 = tpu.memref_slice %arg6[%dma_start3A, %dma_start3A_13] : memref<40x128xi32, #tpu.memory_space<vmem>> -> memref<1x128xi32, #tpu.memory_space<vmem>>
    %dma_start3A_15 = tpu.memref_squeeze %dma_start3A_14 : memref<1x128xi32, #tpu.memory_space<vmem>> -> memref<128xi32, #tpu.memory_space<vmem>>
    %dma_start3A_16 = arith.constant 0 : i32
    %dma_start3A_17 = arith.constant 0 : i32
    %dma_start3A_18 = tpu.memref_slice %arg2[%dma_start3A_16, %dma_start3A_17] : memref<20480x128xf32, #tpu.memory_space<hbm>> -> memref<20480x128xf32, #tpu.memory_space<hbm>>
    tpu.enqueue_indirect_dma source(%dma_start3A_18 : memref<20480x128xf32, #tpu.memory_space<hbm>>) target(%arg8 : memref<128x128xf32, #tpu.memory_space<vmem>>) offsets(%dma_start3A_15 : memref<128xi32, #tpu.memory_space<vmem>>) semaphore(%arg11 : memref<!tpu.dma_semaphore, #tpu.memory_space<semaphore_mem>>)
    %dma_start3A_19 = arith.constant 1 : i32
    %dma_start3A_20 = arith.constant 0 : i32
    %dma_start3A_21 = tpu.memref_slice %arg6[%dma_start3A_19, %dma_start3A_20] : memref<40x128xi32, #tpu.memory_space<vmem>> -> memref<1x128xi32, #tpu.memory_space<vmem>>
    %dma_start3A_22 = tpu.memref_squeeze %dma_start3A_21 : memref<1x128xi32, #tpu.memory_space<vmem>> -> memref<128xi32, #tpu.memory_space<vmem>>
    %dma_start3A_23 = arith.constant 0 : i32
    %dma_start3A_24 = arith.constant 0 : i32
    %dma_start3A_25 = tpu.memref_slice %arg2[%dma_start3A_23, %dma_start3A_24] : memref<20480x128xf32, #tpu.memory_space<hbm>> -> memref<20480x128xf32, #tpu.memory_space<hbm>>
    tpu.enqueue_indirect_dma source(%dma_start3A_25 : memref<20480x128xf32, #tpu.memory_space<hbm>>) target(%arg9 : memref<128x128xf32, #tpu.memory_space<vmem>>) offsets(%dma_start3A_22 : memref<128xi32, #tpu.memory_space<vmem>>) semaphore(%arg12 : memref<!tpu.dma_semaphore, #tpu.memory_space<semaphore_mem>>)
    %scan3A = arith.constant 0 : i32
    %scan3A_26 = arith.constant 0 : i32
    %scan3A_27 = arith.constant 20 : i32
    %scan3A_28 = arith.addi %scan3A_26, %scan3A_27 : i32
    %scan3A_29 = arith.constant 1 : i32
    scf.for %scan3A_90 = %scan3A_26 to %scan3A_28 step %scan3A_29  : i32 {
      %mul3A_91 = arith.constant 2 : i32
      %mul3A_92 = arith.muli %mul3A_91, %scan3A_90 : i32
      %dma_wait3A_93 = arith.constant 0 : i32
      %dma_wait3A_94 = arith.constant 0 : i32
      %dma_wait3A_95 = tpu.memref_slice %arg2[%dma_wait3A_93, %dma_wait3A_94] : memref<20480x128xf32, #tpu.memory_space<hbm>> -> memref<128x128xf32, #tpu.memory_space<hbm>>
      %dma_wait3A_96 = arith.constant 0 : i32
      %dma_wait3A_97 = arith.constant 0 : i32
      %dma_wait3A_98 = tpu.memref_slice %arg2[%dma_wait3A_96, %dma_wait3A_97] : memref<20480x128xf32, #tpu.memory_space<hbm>> -> memref<128x128xf32, #tpu.memory_space<hbm>>
      tpu.wait_dma2 semaphore(%arg11 : memref<!tpu.dma_semaphore, #tpu.memory_space<semaphore_mem>>) src(%dma_wait3A_98 : memref<128x128xf32, #tpu.memory_space<hbm>>) dst(%arg8 : memref<128x128xf32, #tpu.memory_space<vmem>>)
      %dma_start3A_99 = arith.constant 0 : i32
      %dma_start3A_100 = tpu.memref_slice %arg7[%mul3A_92, %dma_start3A_99] : memref<40x128xi32, #tpu.memory_space<vmem>> -> memref<1x128xi32, #tpu.memory_space<vmem>>
      %dma_start3A_101 = tpu.memref_squeeze %dma_start3A_100 : memref<1x128xi32, #tpu.memory_space<vmem>> -> memref<128xi32, #tpu.memory_space<vmem>>
      %dma_start3A_102 = arith.constant 0 : i32
      %dma_start3A_103 = arith.constant 0 : i32
      %dma_start3A_104 = tpu.memref_slice %arg10[%dma_start3A_102, %dma_start3A_103] : memref<10240x128xf32, #tpu.memory_space<vmem_shared>> -> memref<10240x128xf32, #tpu.memory_space<vmem_shared>>
      tpu.enqueue_indirect_dma source(%arg8 : memref<128x128xf32, #tpu.memory_space<vmem>>) target(%dma_start3A_104 : memref<10240x128xf32, #tpu.memory_space<vmem_shared>>) offsets(%dma_start3A_101 : memref<128xi32, #tpu.memory_space<vmem>>) semaphore(%arg13 : memref<!tpu.dma_semaphore, #tpu.memory_space<semaphore_mem>>) {add = true}
      %dma_wait3A_105 = arith.constant 0 : i32
      %dma_wait3A_106 = arith.constant 0 : i32
      %dma_wait3A_107 = tpu.memref_slice %arg2[%dma_wait3A_105, %dma_wait3A_106] : memref<20480x128xf32, #tpu.memory_space<hbm>> -> memref<128x128xf32, #tpu.memory_space<hbm>>
      %dma_wait3A_108 = arith.constant 0 : i32
      %dma_wait3A_109 = arith.constant 0 : i32
      %dma_wait3A_110 = tpu.memref_slice %arg2[%dma_wait3A_108, %dma_wait3A_109] : memref<20480x128xf32, #tpu.memory_space<hbm>> -> memref<128x128xf32, #tpu.memory_space<hbm>>
      tpu.wait_dma2 semaphore(%arg12 : memref<!tpu.dma_semaphore, #tpu.memory_space<semaphore_mem>>) src(%dma_wait3A_110 : memref<128x128xf32, #tpu.memory_space<hbm>>) dst(%arg9 : memref<128x128xf32, #tpu.memory_space<vmem>>)
      %add3A_111 = arith.constant 1 : i32
      %add3A_112 = arith.addi %mul3A_92, %add3A_111 : i32
      %dma_start3A_113 = arith.constant 0 : i32
      %dma_start3A_114 = tpu.memref_slice %arg7[%add3A_112, %dma_start3A_113] : memref<40x128xi32, #tpu.memory_space<vmem>> -> memref<1x128xi32, #tpu.memory_space<vmem>>
      %dma_start3A_115 = tpu.memref_squeeze %dma_start3A_114 : memref<1x128xi32, #tpu.memory_space<vmem>> -> memref<128xi32, #tpu.memory_space<vmem>>
      %dma_start3A_116 = arith.constant 0 : i32
      %dma_start3A_117 = arith.constant 0 : i32
      %dma_start3A_118 = tpu.memref_slice %arg10[%dma_start3A_116, %dma_start3A_117] : memref<10240x128xf32, #tpu.memory_space<vmem_shared>> -> memref<10240x128xf32, #tpu.memory_space<vmem_shared>>
      tpu.enqueue_indirect_dma source(%arg9 : memref<128x128xf32, #tpu.memory_space<vmem>>) target(%dma_start3A_118 : memref<10240x128xf32, #tpu.memory_space<vmem_shared>>) offsets(%dma_start3A_115 : memref<128xi32, #tpu.memory_space<vmem>>) semaphore(%arg14 : memref<!tpu.dma_semaphore, #tpu.memory_space<semaphore_mem>>) {add = true}
      %lt3A = arith.constant 19 : i32
      %lt3A_119 = arith.cmpi slt, %scan3A_90, %lt3A : i32
      %convert_element_type3A = arith.extui %lt3A_119 : i1 to i32
      %cond3A = arith.constant 0 : i32
      %cond3A_120 = arith.cmpi ne, %convert_element_type3A, %cond3A : i32
      scf.if %cond3A_120 {
        %dma_wait3A_121 = arith.constant 0 : i32
        %dma_wait3A_122 = arith.constant 0 : i32
        %dma_wait3A_123 = tpu.memref_slice %arg2[%dma_wait3A_121, %dma_wait3A_122] : memref<20480x128xf32, #tpu.memory_space<hbm>> -> memref<128x128xf32, #tpu.memory_space<hbm>>
        %dma_wait3A_124 = arith.constant 0 : i32
        %dma_wait3A_125 = arith.constant 0 : i32
        %dma_wait3A_126 = tpu.memref_slice %arg2[%dma_wait3A_124, %dma_wait3A_125] : memref<20480x128xf32, #tpu.memory_space<hbm>> -> memref<128x128xf32, #tpu.memory_space<hbm>>
        tpu.wait_dma2 semaphore(%arg13 : memref<!tpu.dma_semaphore, #tpu.memory_space<semaphore_mem>>) src(%dma_wait3A_126 : memref<128x128xf32, #tpu.memory_space<hbm>>) dst(%arg8 : memref<128x128xf32, #tpu.memory_space<vmem>>)
        %add3A_127 = arith.constant 2 : i32
        %add3A_128 = arith.addi %mul3A_92, %add3A_127 : i32
        %dma_start3A_129 = arith.constant 0 : i32
        %dma_start3A_130 = tpu.memref_slice %arg6[%add3A_128, %dma_start3A_129] : memref<40x128xi32, #tpu.memory_space<vmem>> -> memref<1x128xi32, #tpu.memory_space<vmem>>
        %dma_start3A_131 = tpu.memref_squeeze %dma_start3A_130 : memref<1x128xi32, #tpu.memory_space<vmem>> -> memref<128xi32, #tpu.memory_space<vmem>>
        %dma_start3A_132 = arith.constant 0 : i32
        %dma_start3A_133 = arith.constant 0 : i32
        %dma_start3A_134 = tpu.memref_slice %arg2[%dma_start3A_132, %dma_start3A_133] : memref<20480x128xf32, #tpu.memory_space<hbm>> -> memref<20480x128xf32, #tpu.memory_space<hbm>>
        tpu.enqueue_indirect_dma source(%dma_start3A_134 : memref<20480x128xf32, #tpu.memory_space<hbm>>) target(%arg8 : memref<128x128xf32, #tpu.memory_space<vmem>>) offsets(%dma_start3A_131 : memref<128xi32, #tpu.memory_space<vmem>>) semaphore(%arg11 : memref<!tpu.dma_semaphore, #tpu.memory_space<semaphore_mem>>)
        %dma_wait3A_135 = arith.constant 0 : i32
        %dma_wait3A_136 = arith.constant 0 : i32
        %dma_wait3A_137 = tpu.memref_slice %arg2[%dma_wait3A_135, %dma_wait3A_136] : memref<20480x128xf32, #tpu.memory_space<hbm>> -> memref<128x128xf32, #tpu.memory_space<hbm>>
        %dma_wait3A_138 = arith.constant 0 : i32
        %dma_wait3A_139 = arith.constant 0 : i32
        %dma_wait3A_140 = tpu.memref_slice %arg2[%dma_wait3A_138, %dma_wait3A_139] : memref<20480x128xf32, #tpu.memory_space<hbm>> -> memref<128x128xf32, #tpu.memory_space<hbm>>
        tpu.wait_dma2 semaphore(%arg14 : memref<!tpu.dma_semaphore, #tpu.memory_space<semaphore_mem>>) src(%dma_wait3A_140 : memref<128x128xf32, #tpu.memory_space<hbm>>) dst(%arg9 : memref<128x128xf32, #tpu.memory_space<vmem>>)
        %add3A_141 = arith.constant 3 : i32
        %add3A_142 = arith.addi %mul3A_92, %add3A_141 : i32
        %dma_start3A_143 = arith.constant 0 : i32
        %dma_start3A_144 = tpu.memref_slice %arg6[%add3A_142, %dma_start3A_143] : memref<40x128xi32, #tpu.memory_space<vmem>> -> memref<1x128xi32, #tpu.memory_space<vmem>>
        %dma_start3A_145 = tpu.memref_squeeze %dma_start3A_144 : memref<1x128xi32, #tpu.memory_space<vmem>> -> memref<128xi32, #tpu.memory_space<vmem>>
        %dma_start3A_146 = arith.constant 0 : i32
        %dma_start3A_147 = arith.constant 0 : i32
        %dma_start3A_148 = tpu.memref_slice %arg2[%dma_start3A_146, %dma_start3A_147] : memref<20480x128xf32, #tpu.memory_space<hbm>> -> memref<20480x128xf32, #tpu.memory_space<hbm>>
        tpu.enqueue_indirect_dma source(%dma_start3A_148 : memref<20480x128xf32, #tpu.memory_space<hbm>>) target(%arg9 : memref<128x128xf32, #tpu.memory_space<vmem>>) offsets(%dma_start3A_145 : memref<128xi32, #tpu.memory_space<vmem>>) semaphore(%arg12 : memref<!tpu.dma_semaphore, #tpu.memory_space<semaphore_mem>>)
      } else {
      }
    }
    %scan3A_30 = arith.constant 20 : i32
    %dma_wait3A = arith.constant 0 : i32
    %dma_wait3A_31 = arith.constant 0 : i32
    %dma_wait3A_32 = tpu.memref_slice %arg2[%dma_wait3A, %dma_wait3A_31] : memref<20480x128xf32, #tpu.memory_space<hbm>> -> memref<128x128xf32, #tpu.memory_space<hbm>>
    %dma_wait3A_33 = arith.constant 0 : i32
    %dma_wait3A_34 = arith.constant 0 : i32
    %dma_wait3A_35 = tpu.memref_slice %arg2[%dma_wait3A_33, %dma_wait3A_34] : memref<20480x128xf32, #tpu.memory_space<hbm>> -> memref<128x128xf32, #tpu.memory_space<hbm>>
    tpu.wait_dma2 semaphore(%arg13 : memref<!tpu.dma_semaphore, #tpu.memory_space<semaphore_mem>>) src(%dma_wait3A_35 : memref<128x128xf32, #tpu.memory_space<hbm>>) dst(%arg8 : memref<128x128xf32, #tpu.memory_space<vmem>>)
    %dma_wait3A_36 = arith.constant 0 : i32
    %dma_wait3A_37 = arith.constant 0 : i32
    %dma_wait3A_38 = tpu.memref_slice %arg2[%dma_wait3A_36, %dma_wait3A_37] : memref<20480x128xf32, #tpu.memory_space<hbm>> -> memref<128x128xf32, #tpu.memory_space<hbm>>
    %dma_wait3A_39 = arith.constant 0 : i32
    %dma_wait3A_40 = arith.constant 0 : i32
    %dma_wait3A_41 = tpu.memref_slice %arg2[%dma_wait3A_39, %dma_wait3A_40] : memref<20480x128xf32, #tpu.memory_space<hbm>> -> memref<128x128xf32, #tpu.memory_space<hbm>>
    tpu.wait_dma2 semaphore(%arg14 : memref<!tpu.dma_semaphore, #tpu.memory_space<semaphore_mem>>) src(%dma_wait3A_41 : memref<128x128xf32, #tpu.memory_space<hbm>>) dst(%arg9 : memref<128x128xf32, #tpu.memory_space<vmem>>)
    %mul3A_42 = arith.constant 80 : i32
    %mul3A_43 = arith.muli %arg1, %mul3A_42 : i32
    %add3A_44 = arith.constant 40 : i32
    %add3A_45 = arith.addi %mul3A_43, %add3A_44 : i32
    "tpu.region"() ({
      %run_scoped3A = tpu.sem_alloc : memref<!tpu.dma_semaphore, #tpu.memory_space<semaphore_mem>>
      %dma_start3A_90 = arith.constant 0 : i32
      %dma_start3A_91 = tpu.memref_slice %arg3[%arg0, %add3A_45, %dma_start3A_90] : memref<2x1280x128xi32, #tpu.memory_space<hbm>> -> memref<1x40x128xi32, #tpu.memory_space<hbm>>
      %dma_start3A_92 = tpu.memref_squeeze %dma_start3A_91 : memref<1x40x128xi32, #tpu.memory_space<hbm>> -> memref<40x128xi32, #tpu.memory_space<hbm>>
      %dma_start3A_93 = arith.constant 0 : i32
      %dma_start3A_94 = tpu.memref_slice %arg3[%arg0, %add3A_45, %dma_start3A_93] : memref<2x1280x128xi32, #tpu.memory_space<hbm>> -> memref<1x40x128xi32, #tpu.memory_space<hbm>>
      %dma_start3A_95 = tpu.memref_squeeze %dma_start3A_94 : memref<1x40x128xi32, #tpu.memory_space<hbm>> -> memref<40x128xi32, #tpu.memory_space<hbm>>
      tpu.enqueue_dma source(%dma_start3A_95 : memref<40x128xi32, #tpu.memory_space<hbm>>) target(%arg6 : memref<40x128xi32, #tpu.memory_space<vmem>>) target_semaphore(%run_scoped3A : memref<!tpu.dma_semaphore, #tpu.memory_space<semaphore_mem>>)
      %dma_wait3A_96 = arith.constant 0 : i32
      %dma_wait3A_97 = tpu.memref_slice %arg3[%arg0, %add3A_45, %dma_wait3A_96] : memref<2x1280x128xi32, #tpu.memory_space<hbm>> -> memref<1x40x128xi32, #tpu.memory_space<hbm>>
      %dma_wait3A_98 = tpu.memref_squeeze %dma_wait3A_97 : memref<1x40x128xi32, #tpu.memory_space<hbm>> -> memref<40x128xi32, #tpu.memory_space<hbm>>
      %dma_wait3A_99 = arith.constant 0 : i32
      %dma_wait3A_100 = tpu.memref_slice %arg3[%arg0, %add3A_45, %dma_wait3A_99] : memref<2x1280x128xi32, #tpu.memory_space<hbm>> -> memref<1x40x128xi32, #tpu.memory_space<hbm>>
      %dma_wait3A_101 = tpu.memref_squeeze %dma_wait3A_100 : memref<1x40x128xi32, #tpu.memory_space<hbm>> -> memref<40x128xi32, #tpu.memory_space<hbm>>
      tpu.wait_dma2 semaphore(%run_scoped3A : memref<!tpu.dma_semaphore, #tpu.memory_space<semaphore_mem>>) src(%dma_wait3A_101 : memref<40x128xi32, #tpu.memory_space<hbm>>) dst(%arg6 : memref<40x128xi32, #tpu.memory_space<vmem>>)
      tpu.yield
    }) : () -> ()
    %mul3A_46 = arith.constant 80 : i32
    %mul3A_47 = arith.muli %arg1, %mul3A_46 : i32
    %add3A_48 = arith.constant 40 : i32
    %add3A_49 = arith.addi %mul3A_47, %add3A_48 : i32
    "tpu.region"() ({
      %run_scoped3A = tpu.sem_alloc : memref<!tpu.dma_semaphore, #tpu.memory_space<semaphore_mem>>
      %dma_start3A_90 = arith.constant 0 : i32
      %dma_start3A_91 = tpu.memref_slice %arg4[%add3A_49, %dma_start3A_90] : memref<1280x128xi32, #tpu.memory_space<hbm>> -> memref<40x128xi32, #tpu.memory_space<hbm>>
      %dma_start3A_92 = arith.constant 0 : i32
      %dma_start3A_93 = tpu.memref_slice %arg4[%add3A_49, %dma_start3A_92] : memref<1280x128xi32, #tpu.memory_space<hbm>> -> memref<40x128xi32, #tpu.memory_space<hbm>>
      tpu.enqueue_dma source(%dma_start3A_93 : memref<40x128xi32, #tpu.memory_space<hbm>>) target(%arg7 : memref<40x128xi32, #tpu.memory_space<vmem>>) target_semaphore(%run_scoped3A : memref<!tpu.dma_semaphore, #tpu.memory_space<semaphore_mem>>)
      %dma_wait3A_94 = arith.constant 0 : i32
      %dma_wait3A_95 = tpu.memref_slice %arg4[%add3A_49, %dma_wait3A_94] : memref<1280x128xi32, #tpu.memory_space<hbm>> -> memref<40x128xi32, #tpu.memory_space<hbm>>
      %dma_wait3A_96 = arith.constant 0 : i32
      %dma_wait3A_97 = tpu.memref_slice %arg4[%add3A_49, %dma_wait3A_96] : memref<1280x128xi32, #tpu.memory_space<hbm>> -> memref<40x128xi32, #tpu.memory_space<hbm>>
      tpu.wait_dma2 semaphore(%run_scoped3A : memref<!tpu.dma_semaphore, #tpu.memory_space<semaphore_mem>>) src(%dma_wait3A_97 : memref<40x128xi32, #tpu.memory_space<hbm>>) dst(%arg7 : memref<40x128xi32, #tpu.memory_space<vmem>>)
      tpu.yield
    }) : () -> ()
    %dma_start3A_50 = arith.constant 0 : i32
    %dma_start3A_51 = arith.constant 0 : i32
    %dma_start3A_52 = tpu.memref_slice %arg6[%dma_start3A_50, %dma_start3A_51] : memref<40x128xi32, #tpu.memory_space<vmem>> -> memref<1x128xi32, #tpu.memory_space<vmem>>
    %dma_start3A_53 = tpu.memref_squeeze %dma_start3A_52 : memref<1x128xi32, #tpu.memory_space<vmem>> -> memref<128xi32, #tpu.memory_space<vmem>>
    %dma_start3A_54 = arith.constant 0 : i32
    %dma_start3A_55 = arith.constant 0 : i32
    %dma_start3A_56 = tpu.memref_slice %arg2[%dma_start3A_54, %dma_start3A_55] : memref<20480x128xf32, #tpu.memory_space<hbm>> -> memref<20480x128xf32, #tpu.memory_space<hbm>>
    tpu.enqueue_indirect_dma source(%dma_start3A_56 : memref<20480x128xf32, #tpu.memory_space<hbm>>) target(%arg8 : memref<128x128xf32, #tpu.memory_space<vmem>>) offsets(%dma_start3A_53 : memref<128xi32, #tpu.memory_space<vmem>>) semaphore(%arg11 : memref<!tpu.dma_semaphore, #tpu.memory_space<semaphore_mem>>)
    %dma_start3A_57 = arith.constant 1 : i32
    %dma_start3A_58 = arith.constant 0 : i32
    %dma_start3A_59 = tpu.memref_slice %arg6[%dma_start3A_57, %dma_start3A_58] : memref<40x128xi32, #tpu.memory_space<vmem>> -> memref<1x128xi32, #tpu.memory_space<vmem>>
    %dma_start3A_60 = tpu.memref_squeeze %dma_start3A_59 : memref<1x128xi32, #tpu.memory_space<vmem>> -> memref<128xi32, #tpu.memory_space<vmem>>
    %dma_start3A_61 = arith.constant 0 : i32
    %dma_start3A_62 = arith.constant 0 : i32
    %dma_start3A_63 = tpu.memref_slice %arg2[%dma_start3A_61, %dma_start3A_62] : memref<20480x128xf32, #tpu.memory_space<hbm>> -> memref<20480x128xf32, #tpu.memory_space<hbm>>
    tpu.enqueue_indirect_dma source(%dma_start3A_63 : memref<20480x128xf32, #tpu.memory_space<hbm>>) target(%arg9 : memref<128x128xf32, #tpu.memory_space<vmem>>) offsets(%dma_start3A_60 : memref<128xi32, #tpu.memory_space<vmem>>) semaphore(%arg12 : memref<!tpu.dma_semaphore, #tpu.memory_space<semaphore_mem>>)
    %scan3A_64 = arith.constant 0 : i32
    %scan3A_65 = arith.constant 0 : i32
    %scan3A_66 = arith.constant 20 : i32
    %scan3A_67 = arith.addi %scan3A_65, %scan3A_66 : i32
    %scan3A_68 = arith.constant 1 : i32
    scf.for %scan3A_90 = %scan3A_65 to %scan3A_67 step %scan3A_68  : i32 {
      %mul3A_91 = arith.constant 2 : i32
      %mul3A_92 = arith.muli %mul3A_91, %scan3A_90 : i32
      %dma_wait3A_93 = arith.constant 0 : i32
      %dma_wait3A_94 = arith.constant 0 : i32
      %dma_wait3A_95 = tpu.memref_slice %arg2[%dma_wait3A_93, %dma_wait3A_94] : memref<20480x128xf32, #tpu.memory_space<hbm>> -> memref<128x128xf32, #tpu.memory_space<hbm>>
      %dma_wait3A_96 = arith.constant 0 : i32
      %dma_wait3A_97 = arith.constant 0 : i32
      %dma_wait3A_98 = tpu.memref_slice %arg2[%dma_wait3A_96, %dma_wait3A_97] : memref<20480x128xf32, #tpu.memory_space<hbm>> -> memref<128x128xf32, #tpu.memory_space<hbm>>
      tpu.wait_dma2 semaphore(%arg11 : memref<!tpu.dma_semaphore, #tpu.memory_space<semaphore_mem>>) src(%dma_wait3A_98 : memref<128x128xf32, #tpu.memory_space<hbm>>) dst(%arg8 : memref<128x128xf32, #tpu.memory_space<vmem>>)
      %dma_start3A_99 = arith.constant 0 : i32
      %dma_start3A_100 = tpu.memref_slice %arg7[%mul3A_92, %dma_start3A_99] : memref<40x128xi32, #tpu.memory_space<vmem>> -> memref<1x128xi32, #tpu.memory_space<vmem>>
      %dma_start3A_101 = tpu.memref_squeeze %dma_start3A_100 : memref<1x128xi32, #tpu.memory_space<vmem>> -> memref<128xi32, #tpu.memory_space<vmem>>
      %dma_start3A_102 = arith.constant 0 : i32
      %dma_start3A_103 = arith.constant 0 : i32
      %dma_start3A_104 = tpu.memref_slice %arg10[%dma_start3A_102, %dma_start3A_103] : memref<10240x128xf32, #tpu.memory_space<vmem_shared>> -> memref<10240x128xf32, #tpu.memory_space<vmem_shared>>
      tpu.enqueue_indirect_dma source(%arg8 : memref<128x128xf32, #tpu.memory_space<vmem>>) target(%dma_start3A_104 : memref<10240x128xf32, #tpu.memory_space<vmem_shared>>) offsets(%dma_start3A_101 : memref<128xi32, #tpu.memory_space<vmem>>) semaphore(%arg13 : memref<!tpu.dma_semaphore, #tpu.memory_space<semaphore_mem>>) {add = true}
      %dma_wait3A_105 = arith.constant 0 : i32
      %dma_wait3A_106 = arith.constant 0 : i32
      %dma_wait3A_107 = tpu.memref_slice %arg2[%dma_wait3A_105, %dma_wait3A_106] : memref<20480x128xf32, #tpu.memory_space<hbm>> -> memref<128x128xf32, #tpu.memory_space<hbm>>
      %dma_wait3A_108 = arith.constant 0 : i32
      %dma_wait3A_109 = arith.constant 0 : i32
      %dma_wait3A_110 = tpu.memref_slice %arg2[%dma_wait3A_108, %dma_wait3A_109] : memref<20480x128xf32, #tpu.memory_space<hbm>> -> memref<128x128xf32, #tpu.memory_space<hbm>>
      tpu.wait_dma2 semaphore(%arg12 : memref<!tpu.dma_semaphore, #tpu.memory_space<semaphore_mem>>) src(%dma_wait3A_110 : memref<128x128xf32, #tpu.memory_space<hbm>>) dst(%arg9 : memref<128x128xf32, #tpu.memory_space<vmem>>)
      %add3A_111 = arith.constant 1 : i32
      %add3A_112 = arith.addi %mul3A_92, %add3A_111 : i32
      %dma_start3A_113 = arith.constant 0 : i32
      %dma_start3A_114 = tpu.memref_slice %arg7[%add3A_112, %dma_start3A_113] : memref<40x128xi32, #tpu.memory_space<vmem>> -> memref<1x128xi32, #tpu.memory_space<vmem>>
      %dma_start3A_115 = tpu.memref_squeeze %dma_start3A_114 : memref<1x128xi32, #tpu.memory_space<vmem>> -> memref<128xi32, #tpu.memory_space<vmem>>
      %dma_start3A_116 = arith.constant 0 : i32
      %dma_start3A_117 = arith.constant 0 : i32
      %dma_start3A_118 = tpu.memref_slice %arg10[%dma_start3A_116, %dma_start3A_117] : memref<10240x128xf32, #tpu.memory_space<vmem_shared>> -> memref<10240x128xf32, #tpu.memory_space<vmem_shared>>
      tpu.enqueue_indirect_dma source(%arg9 : memref<128x128xf32, #tpu.memory_space<vmem>>) target(%dma_start3A_118 : memref<10240x128xf32, #tpu.memory_space<vmem_shared>>) offsets(%dma_start3A_115 : memref<128xi32, #tpu.memory_space<vmem>>) semaphore(%arg14 : memref<!tpu.dma_semaphore, #tpu.memory_space<semaphore_mem>>) {add = true}
      %lt3A = arith.constant 19 : i32
      %lt3A_119 = arith.cmpi slt, %scan3A_90, %lt3A : i32
      %convert_element_type3A = arith.extui %lt3A_119 : i1 to i32
      %cond3A = arith.constant 0 : i32
      %cond3A_120 = arith.cmpi ne, %convert_element_type3A, %cond3A : i32
      scf.if %cond3A_120 {
        %dma_wait3A_121 = arith.constant 0 : i32
        %dma_wait3A_122 = arith.constant 0 : i32
        %dma_wait3A_123 = tpu.memref_slice %arg2[%dma_wait3A_121, %dma_wait3A_122] : memref<20480x128xf32, #tpu.memory_space<hbm>> -> memref<128x128xf32, #tpu.memory_space<hbm>>
        %dma_wait3A_124 = arith.constant 0 : i32
        %dma_wait3A_125 = arith.constant 0 : i32
        %dma_wait3A_126 = tpu.memref_slice %arg2[%dma_wait3A_124, %dma_wait3A_125] : memref<20480x128xf32, #tpu.memory_space<hbm>> -> memref<128x128xf32, #tpu.memory_space<hbm>>
        tpu.wait_dma2 semaphore(%arg13 : memref<!tpu.dma_semaphore, #tpu.memory_space<semaphore_mem>>) src(%dma_wait3A_126 : memref<128x128xf32, #tpu.memory_space<hbm>>) dst(%arg8 : memref<128x128xf32, #tpu.memory_space<vmem>>)
        %add3A_127 = arith.constant 2 : i32
        %add3A_128 = arith.addi %mul3A_92, %add3A_127 : i32
        %dma_start3A_129 = arith.constant 0 : i32
        %dma_start3A_130 = tpu.memref_slice %arg6[%add3A_128, %dma_start3A_129] : memref<40x128xi32, #tpu.memory_space<vmem>> -> memref<1x128xi32, #tpu.memory_space<vmem>>
        %dma_start3A_131 = tpu.memref_squeeze %dma_start3A_130 : memref<1x128xi32, #tpu.memory_space<vmem>> -> memref<128xi32, #tpu.memory_space<vmem>>
        %dma_start3A_132 = arith.constant 0 : i32
        %dma_start3A_133 = arith.constant 0 : i32
        %dma_start3A_134 = tpu.memref_slice %arg2[%dma_start3A_132, %dma_start3A_133] : memref<20480x128xf32, #tpu.memory_space<hbm>> -> memref<20480x128xf32, #tpu.memory_space<hbm>>
        tpu.enqueue_indirect_dma source(%dma_start3A_134 : memref<20480x128xf32, #tpu.memory_space<hbm>>) target(%arg8 : memref<128x128xf32, #tpu.memory_space<vmem>>) offsets(%dma_start3A_131 : memref<128xi32, #tpu.memory_space<vmem>>) semaphore(%arg11 : memref<!tpu.dma_semaphore, #tpu.memory_space<semaphore_mem>>)
        %dma_wait3A_135 = arith.constant 0 : i32
        %dma_wait3A_136 = arith.constant 0 : i32
        %dma_wait3A_137 = tpu.memref_slice %arg2[%dma_wait3A_135, %dma_wait3A_136] : memref<20480x128xf32, #tpu.memory_space<hbm>> -> memref<128x128xf32, #tpu.memory_space<hbm>>
        %dma_wait3A_138 = arith.constant 0 : i32
        %dma_wait3A_139 = arith.constant 0 : i32
        %dma_wait3A_140 = tpu.memref_slice %arg2[%dma_wait3A_138, %dma_wait3A_139] : memref<20480x128xf32, #tpu.memory_space<hbm>> -> memref<128x128xf32, #tpu.memory_space<hbm>>
        tpu.wait_dma2 semaphore(%arg14 : memref<!tpu.dma_semaphore, #tpu.memory_space<semaphore_mem>>) src(%dma_wait3A_140 : memref<128x128xf32, #tpu.memory_space<hbm>>) dst(%arg9 : memref<128x128xf32, #tpu.memory_space<vmem>>)
        %add3A_141 = arith.constant 3 : i32
        %add3A_142 = arith.addi %mul3A_92, %add3A_141 : i32
        %dma_start3A_143 = arith.constant 0 : i32
        %dma_start3A_144 = tpu.memref_slice %arg6[%add3A_142, %dma_start3A_143] : memref<40x128xi32, #tpu.memory_space<vmem>> -> memref<1x128xi32, #tpu.memory_space<vmem>>
        %dma_start3A_145 = tpu.memref_squeeze %dma_start3A_144 : memref<1x128xi32, #tpu.memory_space<vmem>> -> memref<128xi32, #tpu.memory_space<vmem>>
        %dma_start3A_146 = arith.constant 0 : i32
        %dma_start3A_147 = arith.constant 0 : i32
        %dma_start3A_148 = tpu.memref_slice %arg2[%dma_start3A_146, %dma_start3A_147] : memref<20480x128xf32, #tpu.memory_space<hbm>> -> memref<20480x128xf32, #tpu.memory_space<hbm>>
        tpu.enqueue_indirect_dma source(%dma_start3A_148 : memref<20480x128xf32, #tpu.memory_space<hbm>>) target(%arg9 : memref<128x128xf32, #tpu.memory_space<vmem>>) offsets(%dma_start3A_145 : memref<128xi32, #tpu.memory_space<vmem>>) semaphore(%arg12 : memref<!tpu.dma_semaphore, #tpu.memory_space<semaphore_mem>>)
      } else {
      }
    }
    %scan3A_69 = arith.constant 20 : i32
    %dma_wait3A_70 = arith.constant 0 : i32
    %dma_wait3A_71 = arith.constant 0 : i32
    %dma_wait3A_72 = tpu.memref_slice %arg2[%dma_wait3A_70, %dma_wait3A_71] : memref<20480x128xf32, #tpu.memory_space<hbm>> -> memref<128x128xf32, #tpu.memory_space<hbm>>
    %dma_wait3A_73 = arith.constant 0 : i32
    %dma_wait3A_74 = arith.constant 0 : i32
    %dma_wait3A_75 = tpu.memref_slice %arg2[%dma_wait3A_73, %dma_wait3A_74] : memref<20480x128xf32, #tpu.memory_space<hbm>> -> memref<128x128xf32, #tpu.memory_space<hbm>>
    tpu.wait_dma2 semaphore(%arg13 : memref<!tpu.dma_semaphore, #tpu.memory_space<semaphore_mem>>) src(%dma_wait3A_75 : memref<128x128xf32, #tpu.memory_space<hbm>>) dst(%arg8 : memref<128x128xf32, #tpu.memory_space<vmem>>)
    %dma_wait3A_76 = arith.constant 0 : i32
    %dma_wait3A_77 = arith.constant 0 : i32
    %dma_wait3A_78 = tpu.memref_slice %arg2[%dma_wait3A_76, %dma_wait3A_77] : memref<20480x128xf32, #tpu.memory_space<hbm>> -> memref<128x128xf32, #tpu.memory_space<hbm>>
    %dma_wait3A_79 = arith.constant 0 : i32
    %dma_wait3A_80 = arith.constant 0 : i32
    %dma_wait3A_81 = tpu.memref_slice %arg2[%dma_wait3A_79, %dma_wait3A_80] : memref<20480x128xf32, #tpu.memory_space<hbm>> -> memref<128x128xf32, #tpu.memory_space<hbm>>
    tpu.wait_dma2 semaphore(%arg14 : memref<!tpu.dma_semaphore, #tpu.memory_space<semaphore_mem>>) src(%dma_wait3A_81 : memref<128x128xf32, #tpu.memory_space<hbm>>) dst(%arg9 : memref<128x128xf32, #tpu.memory_space<vmem>>)
    %barrier3A_82 = arith.constant 0 : index
    tpu.barrier barrier_id(%barrier3A_82)
    %mul3A_83 = arith.constant 640 : i32
    %mul3A_84 = arith.muli %arg1, %mul3A_83 : i32
    %mul3A_85 = arith.constant 10240 : i32
    %mul3A_86 = arith.muli %arg0, %mul3A_85 : i32
    %mul3A_87 = arith.constant 640 : i32
    %mul3A_88 = arith.muli %arg1, %mul3A_87 : i32
    %add3A_89 = arith.addi %mul3A_86, %mul3A_88 : i32
    "tpu.region"() ({
      %run_scoped3A = tpu.sem_alloc : memref<!tpu.dma_semaphore, #tpu.memory_space<semaphore_mem>>
      %dma_start3A_90 = arith.constant 0 : i32
      %dma_start3A_91 = tpu.memref_slice %arg5[%add3A_89, %dma_start3A_90] : memref<20480x128xf32, #tpu.memory_space<hbm>> -> memref<640x128xf32, #tpu.memory_space<hbm>>
      %dma_start3A_92 = arith.constant 0 : i32
      %dma_start3A_93 = tpu.memref_slice %arg10[%mul3A_84, %dma_start3A_92] : memref<10240x128xf32, #tpu.memory_space<vmem_shared>> -> memref<640x128xf32, #tpu.memory_space<vmem_shared>>
      tpu.enqueue_dma source(%dma_start3A_93 : memref<640x128xf32, #tpu.memory_space<vmem_shared>>) target(%dma_start3A_91 : memref<640x128xf32, #tpu.memory_space<hbm>>) target_semaphore(%run_scoped3A : memref<!tpu.dma_semaphore, #tpu.memory_space<semaphore_mem>>)
      %dma_wait3A_94 = arith.constant 0 : i32
      %dma_wait3A_95 = tpu.memref_slice %arg5[%add3A_89, %dma_wait3A_94] : memref<20480x128xf32, #tpu.memory_space<hbm>> -> memref<640x128xf32, #tpu.memory_space<hbm>>
      %dma_wait3A_96 = arith.constant 0 : i32
      %dma_wait3A_97 = tpu.memref_slice %arg10[%mul3A_84, %dma_wait3A_96] : memref<10240x128xf32, #tpu.memory_space<vmem_shared>> -> memref<640x128xf32, #tpu.memory_space<vmem_shared>>
      tpu.wait_dma2 semaphore(%run_scoped3A : memref<!tpu.dma_semaphore, #tpu.memory_space<semaphore_mem>>) src(%dma_wait3A_97 : memref<640x128xf32, #tpu.memory_space<vmem_shared>>) dst(%dma_wait3A_95 : memref<640x128xf32, #tpu.memory_space<hbm>>)
      tpu.yield
    }) : () -> ()
    return
  }
}

module attributes {stable_mosaic.version = 14 : i64} {
  func.func @_tc1_body(%arg0: memref<2x10240x128xf32, #tpu.memory_space<vmem>>, %arg1: memref<10000x256xf32, #tpu.memory_space<vmem>>, %arg2: memref<256x256xf32, #tpu.memory_space<vmem>>, %arg3: memref<2x10240x128xf32, #tpu.memory_space<vmem>>, %arg4: memref<10240x1xf32, #tpu.memory_space<vmem>>) attributes {dimension_semantics = [], scalar_prefetch = 0 : i64, scratch_operands = 0 : i64, tpu.core_type = #tpu.core_type<tc>} {
    %get3A = arith.constant 0 : index
    %get3A_0 = arith.constant 0 : index
    %get3A_1 = arith.constant 0 : index
    %get3A_2 = vector.load %arg0[%get3A, %get3A_0, %get3A_1] : memref<2x10240x128xf32, #tpu.memory_space<vmem>>, vector<1x10240x128xf32>
    %get3A_3 = vector.shape_cast %get3A_2 : vector<1x10240x128xf32> to vector<10240x128xf32>
    %reduce_sum3A = arith.constant dense<0.000000e+00> : vector<10240xf32>
    %reduce_sum3A_4 = vector.multi_reduction <add>, %get3A_3, %reduce_sum3A [1] : vector<10240x128xf32> to vector<10240xf32>
    %broadcast_in_dim3A = vector.shape_cast %reduce_sum3A_4 : vector<10240xf32> to vector<10240x1xf32>
    %get3A_5 = arith.constant 1 : index
    %get3A_6 = arith.constant 0 : index
    %get3A_7 = arith.constant 0 : index
    %get3A_8 = vector.load %arg0[%get3A_5, %get3A_6, %get3A_7] : memref<2x10240x128xf32, #tpu.memory_space<vmem>>, vector<1x10240x128xf32>
    %get3A_9 = vector.shape_cast %get3A_8 : vector<1x10240x128xf32> to vector<10240x128xf32>
    %reduce_sum3A_10 = arith.constant dense<0.000000e+00> : vector<10240xf32>
    %reduce_sum3A_11 = vector.multi_reduction <add>, %get3A_9, %reduce_sum3A_10 [1] : vector<10240x128xf32> to vector<10240xf32>
    %broadcast_in_dim3A_12 = vector.shape_cast %reduce_sum3A_11 : vector<10240xf32> to vector<10240x1xf32>
    %add3A = arith.addf %broadcast_in_dim3A, %broadcast_in_dim3A_12 : vector<10240x1xf32>
    %mul3A = arith.constant 7.812500e-03 : f32
    %mul3A_13 = vector.broadcast %mul3A : f32 to vector<10240x1xf32>
    %mul3A_14 = arith.mulf %add3A, %mul3A_13 : vector<10240x1xf32>
    %add3A_15 = arith.constant 1.000000e+00 : f32
    %add3A_16 = vector.broadcast %add3A_15 : f32 to vector<10240x1xf32>
    %add3A_17 = arith.addf %mul3A_14, %add3A_16 : vector<10240x1xf32>
    %sqrt3A = math.sqrt %add3A_17 : vector<10240x1xf32>
    %div3A = arith.constant 1.000000e+00 : f32
    %div3A_18 = vector.broadcast %div3A : f32 to vector<10240x1xf32>
    %div3A_19 = arith.divf %div3A_18, %sqrt3A : vector<10240x1xf32>
    %swap3A = arith.constant 0 : index
    %swap3A_20 = arith.constant 0 : index
    %swap3A_21 = vector.load %arg4[%swap3A, %swap3A_20] : memref<10240x1xf32, #tpu.memory_space<vmem>>, vector<10240x1xf32>
    tpu.vector_store %arg4[%swap3A, %swap3A_20], %div3A_19 {strides = array<i32>} : memref<10240x1xf32, #tpu.memory_space<vmem>>, vector<10240x1xf32>,
    %slice3A = vector.extract_strided_slice %div3A_19 {offsets = [0, 0], sizes = [10000, 1], strides = [1, 1]} : vector<10240x1xf32> to vector<10000x1xf32>
    %get3A_22 = arith.constant 0 : index
    %get3A_23 = arith.constant 0 : index
    %get3A_24 = vector.load %arg1[%get3A_22, %get3A_23] : memref<10000x256xf32, #tpu.memory_space<vmem>>, vector<10000x256xf32>
    %get3A_25 = arith.constant 0 : index
    %get3A_26 = arith.constant 0 : index
    %get3A_27 = vector.load %arg2[%get3A_25, %get3A_26] : memref<256x256xf32, #tpu.memory_space<vmem>>, vector<256x256xf32>
    %dot_general3A = arith.constant dense<0.000000e+00> : vector<10000x256xf32>
    %dot_general3A_28 = tpu.matmul %get3A_24, %get3A_27, %dot_general3A {dimension_numbers = #tpu.dot_dimension_numbers<[1], [0], [0], [1], [0, 0, 1, 1], [], []>, transpose_lhs_hint = false} : vector<10000x256xf32>, vector<256x256xf32>, vector<10000x256xf32> -> vector<10000x256xf32>
    %mul3A_29 = vector.broadcast %slice3A : vector<10000x1xf32> to vector<10000x256xf32>
    %mul3A_30 = arith.mulf %dot_general3A_28, %mul3A_29 : vector<10000x256xf32>
    %slice3A_31 = vector.extract_strided_slice %mul3A_30 {offsets = [0, 0], sizes = [10000, 128], strides = [1, 1]} : vector<10000x256xf32> to vector<10000x128xf32>
    %swap3A_32 = arith.constant 0 : index
    %swap3A_33 = arith.constant 0 : index
    %swap3A_34 = arith.constant 0 : index
    %swap3A_35 = vector.load %arg3[%swap3A_32, %swap3A_33, %swap3A_34] : memref<2x10240x128xf32, #tpu.memory_space<vmem>>, vector<1x10000x128xf32>
    %swap3A_36 = vector.shape_cast %swap3A_35 : vector<1x10000x128xf32> to vector<10000x128xf32>
    %swap3A_37 = vector.shape_cast %slice3A_31 : vector<10000x128xf32> to vector<1x10000x128xf32>
    tpu.vector_store %arg3[%swap3A_32, %swap3A_33, %swap3A_34], %swap3A_37 {strides = array<i32>} : memref<2x10240x128xf32, #tpu.memory_space<vmem>>, vector<1x10000x128xf32>,
    %slice3A_38 = vector.extract_strided_slice %mul3A_30 {offsets = [0, 128], sizes = [10000, 128], strides = [1, 1]} : vector<10000x256xf32> to vector<10000x128xf32>
    %swap3A_39 = arith.constant 1 : index
    %swap3A_40 = arith.constant 0 : index
    %swap3A_41 = arith.constant 0 : index
    %swap3A_42 = vector.load %arg3[%swap3A_39, %swap3A_40, %swap3A_41] : memref<2x10240x128xf32, #tpu.memory_space<vmem>>, vector<1x10000x128xf32>
    %swap3A_43 = vector.shape_cast %swap3A_42 : vector<1x10000x128xf32> to vector<10000x128xf32>
    %swap3A_44 = vector.shape_cast %slice3A_38 : vector<10000x128xf32> to vector<1x10000x128xf32>
    tpu.vector_store %arg3[%swap3A_39, %swap3A_40, %swap3A_41], %swap3A_44 {strides = array<i32>} : memref<2x10240x128xf32, #tpu.memory_space<vmem>>, vector<1x10000x128xf32>,
    return
  }
}

module attributes {stable_mosaic.version = 14 : i64} {
  func.func @_tc2_body(%arg0: memref<2x10240x128xf32, #tpu.memory_space<vmem>>, %arg1: memref<10240x1xf32, #tpu.memory_space<vmem>>, %arg2: memref<256xf32, #tpu.memory_space<vmem>>, %arg3: memref<256x128xf32, #tpu.memory_space<vmem>>, %arg4: memref<2x10240x128xf32, #tpu.memory_space<vmem>>) attributes {dimension_semantics = [], scalar_prefetch = 0 : i64, scratch_operands = 0 : i64, tpu.core_type = #tpu.core_type<tc>} {
    %get3A = arith.constant 0 : index
    %get3A_0 = arith.constant 0 : index
    %get3A_1 = vector.load %arg1[%get3A, %get3A_0] : memref<10240x1xf32, #tpu.memory_space<vmem>>, vector<10000x1xf32>
    %get3A_2 = arith.constant 0 : index
    %get3A_3 = arith.constant 0 : index
    %get3A_4 = arith.constant 0 : index
    %get3A_5 = vector.load %arg0[%get3A_2, %get3A_3, %get3A_4] : memref<2x10240x128xf32, #tpu.memory_space<vmem>>, vector<1x10000x128xf32>
    %get3A_6 = vector.shape_cast %get3A_5 : vector<1x10000x128xf32> to vector<10000x128xf32>
    %get3A_7 = arith.constant 1 : index
    %get3A_8 = arith.constant 0 : index
    %get3A_9 = arith.constant 0 : index
    %get3A_10 = vector.load %arg0[%get3A_7, %get3A_8, %get3A_9] : memref<2x10240x128xf32, #tpu.memory_space<vmem>>, vector<1x10000x128xf32>
    %get3A_11 = vector.shape_cast %get3A_10 : vector<1x10000x128xf32> to vector<10000x128xf32>
    %concatenate3A = tpu.concatenate %get3A_6, %get3A_11 in 1 : vector<10000x128xf32>, vector<10000x128xf32> -> vector<10000x256xf32>
    %mul3A = vector.broadcast %get3A_1 : vector<10000x1xf32> to vector<10000x256xf32>
    %mul3A_12 = arith.mulf %concatenate3A, %mul3A : vector<10000x256xf32>
    %get3A_13 = arith.constant 0 : index
    %get3A_14 = vector.load %arg2[%get3A_13] : memref<256xf32, #tpu.memory_space<vmem>>, vector<256xf32>
    %broadcast_in_dim3A = vector.shape_cast %get3A_14 : vector<256xf32> to vector<1x256xf32>
    %add3A = vector.broadcast %broadcast_in_dim3A : vector<1x256xf32> to vector<10000x256xf32>
    %add3A_15 = arith.addf %mul3A_12, %add3A : vector<10000x256xf32>
    %max3A = arith.constant 0.000000e+00 : f32
    %max3A_16 = vector.broadcast %max3A : f32 to vector<10000x256xf32>
    %max3A_17 = arith.maximumf %add3A_15, %max3A_16 : vector<10000x256xf32>
    %get3A_18 = arith.constant 0 : index
    %get3A_19 = arith.constant 0 : index
    %get3A_20 = vector.load %arg3[%get3A_18, %get3A_19] : memref<256x128xf32, #tpu.memory_space<vmem>>, vector<256x128xf32>
    %dot_general3A = arith.constant dense<0.000000e+00> : vector<10000x128xf32>
    %dot_general3A_21 = tpu.matmul %max3A_17, %get3A_20, %dot_general3A {dimension_numbers = #tpu.dot_dimension_numbers<[1], [0], [0], [1], [0, 0, 1, 1], [], []>, transpose_lhs_hint = false} : vector<10000x256xf32>, vector<256x128xf32>, vector<10000x128xf32> -> vector<10000x128xf32>
    %mul3A_22 = vector.broadcast %get3A_1 : vector<10000x1xf32> to vector<10000x128xf32>
    %mul3A_23 = arith.mulf %dot_general3A_21, %mul3A_22 : vector<10000x128xf32>
    %swap3A = arith.constant 0 : index
    %swap3A_24 = arith.constant 0 : index
    %swap3A_25 = arith.constant 0 : index
    %swap3A_26 = vector.load %arg4[%swap3A, %swap3A_24, %swap3A_25] : memref<2x10240x128xf32, #tpu.memory_space<vmem>>, vector<1x10000x128xf32>
    %swap3A_27 = vector.shape_cast %swap3A_26 : vector<1x10000x128xf32> to vector<10000x128xf32>
    %swap3A_28 = vector.shape_cast %mul3A_23 : vector<10000x128xf32> to vector<1x10000x128xf32>
    tpu.vector_store %arg4[%swap3A, %swap3A_24, %swap3A_25], %swap3A_28 {strides = array<i32>} : memref<2x10240x128xf32, #tpu.memory_space<vmem>>, vector<1x10000x128xf32>,
    %swap3A_29 = arith.constant 1 : index
    %swap3A_30 = arith.constant 0 : index
    %swap3A_31 = arith.constant 0 : index
    %swap3A_32 = vector.load %arg4[%swap3A_29, %swap3A_30, %swap3A_31] : memref<2x10240x128xf32, #tpu.memory_space<vmem>>, vector<1x10000x128xf32>
    %swap3A_33 = vector.shape_cast %swap3A_32 : vector<1x10000x128xf32> to vector<10000x128xf32>
    %swap3A_34 = vector.shape_cast %mul3A_23 : vector<10000x128xf32> to vector<1x10000x128xf32>
    tpu.vector_store %arg4[%swap3A_29, %swap3A_30, %swap3A_31], %swap3A_34 {strides = array<i32>} : memref<2x10240x128xf32, #tpu.memory_space<vmem>>, vector<1x10000x128xf32>,
    return
  }
}

module attributes {stable_mosaic.version = 14 : i64} {
  func.func @_tc3_body(%arg0: memref<2x10240x128xf32, #tpu.memory_space<vmem>>, %arg1: memref<10240x1xf32, #tpu.memory_space<vmem>>, %arg2: memref<128xf32, #tpu.memory_space<vmem>>, %arg3: memref<10000x128xf32, #tpu.memory_space<vmem>>) attributes {dimension_semantics = [], scalar_prefetch = 0 : i64, scratch_operands = 0 : i64, tpu.core_type = #tpu.core_type<tc>} {
    %get3A = arith.constant 0 : index
    %get3A_0 = arith.constant 0 : index
    %get3A_1 = vector.load %arg1[%get3A, %get3A_0] : memref<10240x1xf32, #tpu.memory_space<vmem>>, vector<10000x1xf32>
    %get3A_2 = arith.constant 0 : index
    %get3A_3 = arith.constant 0 : index
    %get3A_4 = arith.constant 0 : index
    %get3A_5 = vector.load %arg0[%get3A_2, %get3A_3, %get3A_4] : memref<2x10240x128xf32, #tpu.memory_space<vmem>>, vector<1x10000x128xf32>
    %get3A_6 = vector.shape_cast %get3A_5 : vector<1x10000x128xf32> to vector<10000x128xf32>
    %get3A_7 = arith.constant 1 : index
    %get3A_8 = arith.constant 0 : index
    %get3A_9 = arith.constant 0 : index
    %get3A_10 = vector.load %arg0[%get3A_7, %get3A_8, %get3A_9] : memref<2x10240x128xf32, #tpu.memory_space<vmem>>, vector<1x10000x128xf32>
    %get3A_11 = vector.shape_cast %get3A_10 : vector<1x10000x128xf32> to vector<10000x128xf32>
    %add3A = arith.addf %get3A_6, %get3A_11 : vector<10000x128xf32>
    %mul3A = vector.broadcast %get3A_1 : vector<10000x1xf32> to vector<10000x128xf32>
    %mul3A_12 = arith.mulf %add3A, %mul3A : vector<10000x128xf32>
    %get3A_13 = arith.constant 0 : index
    %get3A_14 = vector.load %arg2[%get3A_13] : memref<128xf32, #tpu.memory_space<vmem>>, vector<128xf32>
    %broadcast_in_dim3A = vector.shape_cast %get3A_14 : vector<128xf32> to vector<1x128xf32>
    %add3A_15 = vector.broadcast %broadcast_in_dim3A : vector<1x128xf32> to vector<10000x128xf32>
    %add3A_16 = arith.addf %mul3A_12, %add3A_15 : vector<10000x128xf32>
    %swap3A = arith.constant 0 : index
    %swap3A_17 = arith.constant 0 : index
    %swap3A_18 = vector.load %arg3[%swap3A, %swap3A_17] : memref<10000x128xf32, #tpu.memory_space<vmem>>, vector<10000x128xf32>
    tpu.vector_store %arg3[%swap3A, %swap3A_17], %add3A_16 {strides = array<i32>} : memref<10000x128xf32, #tpu.memory_space<vmem>>, vector<10000x128xf32>,
    return
  }
}

</mosaic_0001>

<sc_bundles>
// kernel: kernel.11.cloned.1.call-start
scs
__scs_entry_jumppad:
0x0: {  	(pc) =	sbr.rel $0x88, $3  }
0x1: {  	(tag) =	ssettag $0x0;
	lr =	simm.s32 $0x1  }
0x2: {  	[smem:$0x3F9B] =	sst lr;
	_ =	strace $0xD0000000  }
0x3: {  	_ = 	snop  }
0x4: {  	_ = 	snop  }
0x5: {  	_ = 	snop  }
0x6: {  	_ = 	snop  }
0x7: {  	_ = 	snop  }
__scs_overlays_trampoline_lowered:
0x8: {  	[smem:$0x3FAA] =	sst s0  }
0x9: {  	[smem:$0x3FAB] =	sst s1  }
0xa: {  	[smem:$0x3FAC] =	sst s2  }
0xb: {  	[smem:$0x3FAD] =	sst s3  }
0xc: {  	[smem:$0x3FAE] =	sst s4  }
0xd: {  	[smem:$0x3FAF] =	sst s5  }
0xe: {  	[smem:$0x3FB0] =	sst s6  }
0xf: {  	[smem:$0x3FB1] =	sst s7  }
0x10: {  	[smem:$0x3FB2] =	sst s8  }
0x11: {  	[smem:$0x3FB3] =	sst s9;
	s0 =	simm.s32 @!p0 $0x0  }
0x12: {  	s1 =	sld [smem:$0x3F99];
	s0 =	simm.s32 @p0 $0x1  }
0x13: {  	[smem:$0x3FB4] =	sst s0;
	s0 =	simm.s32 @!p1 $0x0  }
0x14: {  	s2 =	sld [smem:$0x3F98];
	s0 =	simm.s32 @p1 $0x1  }
0x15: {  	[smem:$0x3FB5] =	sst s0;
	s0 =	simm.s32 @!p2 $0x0  }
0x16: {  	s3 =	sld [smem:$0x3FDB];
	s0 =	simm.s32 @p2 $0x1  }
0x17: {  	s4 =	simm.s32 $0x1BF5;
	[smem:$0x3FB7] =	sst s0  }
0x18: {  	s0 =	sld [smem:$0x3F9A];
	_ =	swait.ge [sflag:s4], $0x0  }
0x19: {  	s7 =	sld [smem:$0x3F9B]  }
0x1a: {  	s8 =	sadd.s32 $0xFFFFE003, lr  }
0x1b: {  	s9 =	sadd.s32 $0xFFFFFEF7, lr;
	s5 =	simm.s32 $0xFFFFFFFF;
	p2 =	slt.u32 s8, $0xFFFFF086  }
0x1c: {  	p1 =	slt.u32 s9, $0xF7A;
	s5 =	simm.s32 @!p2 $0x0  }
0x1d: {  	s5 =	simm.s32 @p1 $0x1;
	p0 =	seq.s32 s7, s2  }
0x1e: {  	s7 =	smul.u32 @!p0 $0xF7A, s2;
	p2 =	seq.s32 @!p0 s5, $0x0  }
0x1f: {  	s9 =	smul.u32 $0xF7A, s1;
	s8 =	simm.s32 @!p0 $0x1BF5;
	p2 =	por !p2, p0  }
0x20: {  	[sflag:s8] =	ssyncset.s32 @!p0 $0xFFFFF086;
	s6 =	sadd.s32 @!p0 s3, s7;
	s7 =	simm.s32 @!p0 $0x108  }
0x21: {  	s3 =	sadd.s32 s3, s9;
	s6 =	sadd.s32 @!p0 $0x88, s6;
	s7 =	simm.s32 @p2 $0x1082  }
0x22: {  	[simem:s7], [sflag:s8] =	dma.local @!p0 [hbm:s6], $0xF7A  }
0x23: {  	s9 =	sor.u32 $0xD0000000, s2;
	s6 =	simm.s32 $0x108;
	_ =	swait.ge @!p0 [sflag:s8], $0x0  }
0x24: {  	s3 =	sadd.s32 $0x88, s3;
	s6 =	simm.s32 @!p1 $0x1082;
	[sflag:s4] =	ssyncset.s32 $0xFFFFF086  }
0x25: {  	[simem:s6], [sflag:s4] =	dma.local [hbm:s3], $0xF7A  }
0x26: {  	[smem:$0x3F9B] =	sst s1;
	(tag) =	ssettag s2;
	_ =	strace s9  }
0x27: {  	s1 =	sld [smem:$0x3FAB]  }
0x28: {  	s2 =	sld [smem:$0x3FAC]  }
0x29: {  	s4 =	sld [smem:$0x3FAE]  }
0x2a: {  	p0 =	seq.s32 s5, $0x0;
	s5 =	sld [smem:$0x3FAF]  }
0x2b: {  	s6 =	sld [smem:$0x3FB0]  }
0x2c: {  	s7 =	sld [smem:$0x3FB1]  }
0x2d: {  	s3 =	simm.s32 $0x108;
	s8 =	sld [smem:$0x3FB2]  }
0x2e: {  	s3 =	simm.s32 @!p0 $0x1082;
	s9 =	sld [smem:$0x3FB3]  }
0x2f: {  	lr =	sadd.s32 s0, s3;
	s0 =	sld [smem:$0x3FAA]  }
0x30: {  	s3 =	sld [smem:$0x3FAD]  }
0x31: {  	[smem:$0x3FB6] =	sst s10  }
0x32: {  	s10 =	sld [smem:$0x3FB4];
	_ =	sdelay $0x3  }
0x33: {  	p0 =	seq.s32 s10, $0x1;
	s10 =	sld [smem:$0x3FB6];
	_ =	sdelay $0x3  }
0x34: {  	[smem:$0x3FB6] =	sst s10  }
0x35: {  	s10 =	sld [smem:$0x3FB5];
	_ =	sdelay $0x3  }
0x36: {  	p1 =	seq.s32 s10, $0x1;
	s10 =	sld [smem:$0x3FB6];
	_ =	sdelay $0x3  }
0x37: {  	[smem:$0x3FB6] =	sst s10  }
0x38: {  	s10 =	sld [smem:$0x3FB7]  }
0x39: {  	_ = 	snop;
	(pc) =	sbr.ind lr, $3  }
0x3a: {  	_ = 	snop  }
0x3b: {  	_ = 	snop  }
0x3c: {  	p2 =	seq.s32 s10, $0x1;
	s10 =	sld [smem:$0x3FB6]  }
0x3d: {  	_ =	shalt  }
0x3e: {  	_ =	shalt  }
0x3f: {  	_ =	shalt  }
0x40: {  	_ =	shalt  }
0x41: {  	_ =	shalt  }
0x42: {  	_ =	shalt  }
0x43: {  	_ =	shalt  }
0x44: {  	_ =	shalt  }
0x45: {  	_ =	shalt  }
0x46: {  	_ =	shalt  }
0x47: {  	_ =	shalt  }
0x48: {  	_ =	shalt  }
0x49: {  	_ =	shalt  }
0x4a: {  	_ =	shalt  }
0x4b: {  	_ =	shalt  }
0x4c: {  	_ =	shalt  }
0x4d: {  	_ =	shalt  }
0x4e: {  	_ =	shalt  }
0x4f: {  	_ =	shalt  }
0x50: {  	_ =	shalt  }
0x51: {  	_ =	shalt  }
0x52: {  	_ =	shalt  }
0x53: {  	_ =	shalt  }
0x54: {  	_ =	shalt  }
0x55: {  	_ =	shalt  }
0x56: {  	_ =	shalt  }
0x57: {  	_ =	shalt  }
0x58: {  	_ =	shalt  }
0x59: {  	_ =	shalt  }
0x5a: {  	_ =	shalt  }
0x5b: {  	_ =	shalt  }
0x5c: {  	_ =	shalt  }
0x5d: {  	_ =	shalt  }
0x5e: {  	_ =	shalt  }
0x5f: {  	_ =	shalt  }
0x60: {  	_ =	shalt  }
0x61: {  	_ =	shalt  }
0x62: {  	_ =	shalt  }
0x63: {  	_ =	shalt  }
0x64: {  	_ =	shalt  }
0x65: {  	_ =	shalt  }
0x66: {  	_ =	shalt  }
0x67: {  	_ =	shalt  }
0x68: {  	_ =	shalt  }
0x69: {  	_ =	shalt  }
0x6a: {  	_ =	shalt  }
0x6b: {  	_ =	shalt  }
0x6c: {  	_ =	shalt  }
0x6d: {  	_ =	shalt  }
0x6e: {  	_ =	shalt  }
0x6f: {  	_ =	shalt  }
0x70: {  	_ =	shalt  }
0x71: {  	_ =	shalt  }
0x72: {  	_ =	shalt  }
0x73: {  	_ =	shalt  }
0x74: {  	_ =	shalt  }
0x75: {  	_ =	shalt  }
0x76: {  	_ =	shalt  }
0x77: {  	_ =	shalt  }
0x78: {  	_ =	shalt  }
0x79: {  	_ =	shalt  }
0x7a: {  	_ =	shalt  }
0x7b: {  	_ =	shalt  }
0x7c: {  	_ =	shalt  }
0x7d: {  	_ =	shalt  }
0x7e: {  	_ =	shalt  }
0x7f: {  	_ =	shalt  }
0x80: {  	_ =	shalt  }
0x81: {  	_ =	shalt  }
0x82: {  	_ =	shalt  }
0x83: {  	_ =	shalt  }
0x84: {  	_ =	shalt  }
0x85: {  	_ =	shalt  }
0x86: {  	_ =	shalt  }
0x87: {  	_ =	shalt  }
.Lfunc_end0:
.L_simem_size_0:
called_computation.1_lowered:
.L_overlay_start_0:
0x88: {  	s2 =	sld [smem:$0x3FD9]  }
0x89: {  	s3 =	sld [smem:$0x3FFE];
	_ =	sdelay $0x1  }
0x8a: {  	s1 =	srdreg.scid  }
0x8b: {  	s0 =	sand.u32 $0x1, s1  }
0x8c: {  	s17 =	sshll.u32 s0, $0xA;
	s2 =	sadd.s32 s3, s2  }
0x8d: {  	s2 =	sadd.s32 s2, s17  }
0x8e: {  	[smem:$0x3FC2] =	sst s2  }
0x8f: {  	_ = 	snop  }
0x90: {  	s2 =	sld [smem:$0x3FD0];
	(tm) =	ssettm $0x1  }
0x91: {  	s18 =	sld [smem:$0x3FFB];
	_ =	sdelay $0x3  }
0x92: {  	_ =	strace s18  }
0x93: {  	s3 =	sld [smem:$0x3FFC];
	_ =	sdelay $0x3  }
0x94: {  	_ =	strace s3  }
0x95: {  	s3 =	sld [smem:$0x3FFD];
	_ =	sdelay $0x3  }
0x96: {  	_ =	strace s3  }
0x97: {  	_ =	strace $0x8FFFFFFF  }
0x98: {  	s19 =	sld [smem:$0x3FDB];
	_ =	sdelay $0x1  }
0x99: {  	s4 =	simm.s32 $_scs_section_size  }
0x9a: {  	s5 =	simm.s32 $_size__tile_overlayer_lowered;
	s6 =	simm.s32 $_tile_overlayer_lowered  }
0x9b: {  	s22 =	simm.s32 $0x1BFF;
	s21 =	sshll.u32 s6, $0x1;
	s3 =	sadd.s32 s4, s19  }
0x9c: {  	s7 =	simm.s32 $0x0;
	s20 =	sshll.u32 s5, $0x1;
	s5 =	sadd.s32 s21, s3  }
0x9d: {  	[timem:s7], [sflag:s22] =	dma.local [hbm:s5], s20  }
0x9e: {  	_ =	swait.ge [sflag:s22], s20  }
0x9f: {  	s4 =	ssub.s32 $0x0, s20;
	[sflag:s22] =	ssyncset.done $0x0  }
0xa0: {  	[sflag:s22] =	ssyncadd.s32 s4;
	_ =	sdelay $0x1  }
0xa1: {  	s23 =	simm.s32 $0x1B8B  }
0xa2: {  	_ =	swait.ge [sflag:s23], $0x1  }
0xa3: {  	[sflag:s23] =	ssyncset.done $0x0  }
0xa4: {  	s25 =	simm.s32 $0x1B8E;
	s24 =	sld [smem:$0x3FFE];
	[sflag:s23] =	ssyncadd.s32 $0xFFFFFFFF  }
0xa5: {  	s26 =	simm.s32 $execute0_lowered;
	[smem:$0x3FD2] =	sst s25  }
0xa6: {  	s5 =	sshll.u32 s26, $0x1;
	_ =	strace $0x80000049;
	[dreg:$0x1] =	wrdreg $0xFFFFFFFF  }
0xa7: {  	s28 =	simm.s32 $_size_execute0_lowered;
	s3 =	sadd.s32 s3, s5;
	[dreg:$0x0] =	wrdreg $0x0  }
0xa8: {  	s5 =	sshll.u32 s28, $0x1;
	[dreg:$0x2] =	wrdreg s3  }
0xa9: {  	[dreg:$0x3] =	wrdreg s5  }
0xaa: {  	[dreg:$0x4] =	wrdreg $0xC0  }
0xab: {  	_ =	task [dreg:s7], $0x5FFFF  }
0xac: {  	[dreg:$0x1] =	wrdreg $0xFFFFFFFF  }
0xad: {  	[dreg:$0x0] =	wrdreg $0x60  }
0xae: {  	[dreg:$0x2] =	wrdreg s24  }
0xaf: {  	[dreg:$0x3] =	wrdreg s2  }
0xb0: {  	[dreg:$0x4] =	wrdreg $0xA8000  }
0xb1: {  	[dreg:$0x5] =	wrdreg $0x9  }
0xb2: {  	_ =	task.clear_ibuf [dreg:s7], $0x6FFFF;
	_ =	strace $0x90000049  }
0xb3: {  	s29 =	simm.s32 $0x9;
	_ =	strace $0x8000004B  }
0xb4: {  	_ =	swait.ge [sflag:s29], $0x1  }
0xb5: {  	[sflag:s29] =	ssyncadd.s32 $0xFFFFFFFF  }
0xb6: {  	_ =	strace $0x9000004B  }
0xb7: {  	_ =	sfence  }
0xb8: {  	s30 =	sld [smem:$0x0];
	_ =	sdelay $0x2  }
0xb9: {  	s31 =	sshll.u32 s1, $0xD;
	s1 =	sshrl.u32 s1, $0x2  }
0xba: {  	s3 =	sand.u32 $0x4000, s31;
	s1 =	sadd.s32 s1, s30  }
0xbb: {  	s0 =	sor.u32 s3, s0;
	s1 =	sshll.u32 s1, $0x11  }
0xbc: {  	s0 =	sor.u32 s1, s0  }
0xbd: {  	s0 =	sadd.s32 $0x8F2B, s0  }
0xbe: {  	[sflag:s0] =	ssyncadd.remote.s32 $0x1  }
0xbf: {  	_ =	sfence.sel $0xFFFF  }
0xc0: {  	[dreg:$0x0] =	wrdreg $0xFFFFFFFF;
	(pc) =	sbr.abs _section_cstart, $3  }
0xc1: {  	[dreg:$0x1] =	wrdreg $0xFFFFFFFF  }
0xc2: {  	_ =	task.clear_ibuf [dreg:s7], $0x2FFFF;
	_ =	strace $0x9FFFFFFF  }
0xc3: {  	(tm) =	ssettm $0x7FFFFFFF  }
tec
execute0_lowered:
.L_overlay_start_1:
0x0: {  	(tag) =	ssettag $0x1  }
0x1: {  	s5 =	rddreg [dreg:$0x0]  }
0x2: {  	s9 =	rddreg [dreg:$0x1]  }
0x3: {  	s1 =	rddreg [dreg:$0x2]  }
0x4: {  	s0 =	rddreg [dreg:$0x3];
	s3 =	simm.s32 $0x0;
	s2 =	srdreg.scid  }
0x5: {  	s17 =	simm.s32 $0x2800;
	s18 =	simm.s32 $0x6800;
	s6 =	sand.u32 $0x1, s2  }
0x6: {  	s19 =	simm.s32 $0x1;
	s2 =	stileid.u32;
	s7 =	smul.u32 $0x2800, s6  }
0x7: {  	[smem:$0x7FF] =	sst s3;
	s4 =	sadd.s32 $0x59E00, s5;
	s8 =	smul.u32 $0x280, s2  }
0x8: {  	s10 =	sadd.s32 $0x1E00, s5;
	_ =	strace $0x8000004A;
	s11 =	smul.u32 $0x50000, s2  }
0x9: {  	s20 =	ssub.s32 $0x2, s6;
	s12 =	smul.u32 $0x28000, s6;
	s25 =	sshll.u32 s2, $0x6  }
0xa: {  	s13 =	smul.u32 $0x2800, s2;
	s22 =	sshrl.u32 s20, $0x1;
	s6 =	sor.u32 $0x1C05, s25  }
0xb: {  	s25 =	simm.s32 $0x0;
	s7 =	sadd.s32 s8, s7;
	s15 =	ssub.s32 s20, s22  }
0xc: {  	s23 =	sshrl.u32 s11, $0x2;
	s24 =	sadd.s32 s13, s12;
	s28 =	sadd.s32 $0x1400, s13  }
0xd: {  	s30 =	sshrl.u32 s13, $0x3;
	s20 =	simm.s32 $0x2;
	s22 =	simm.s32 $0x4  }
0xe: {  	s21 =	sshll.u32 s7, $0x4;
	s16 =	sadd.s32 s23, s1;
	s26 =	sshrl.u32 s24, $0x3  }
0xf: {  	s29 =	sadd.s32 s12, s28;
	s11 =	sshrl.u32 s28, $0x3;
	s8 =	sadd.s32 s10, s30  }
0x10: {  	s12 =	smax.u32 s15, $0x1;
	s15 =	simm.s32 $0x1400;
	s23 =	simm.s32 $0x2700  }
0x11: {  	s24 =	simm.s32 $0x2780;
	s14 =	sadd.s32 s21, s5;
	s5 =	sadd.s32 s4, s21  }
0x12: {  	s7 =	sadd.s32 s9, s26;
	s31 =	sshrl.u32 s29, $0x3;
	s10 =	sadd.s32 s10, s11  }
0x13: {  	s13 =	sshrl.u32 s16, $0x3;
	s16 =	simm.s32 $0x80;
	s21 =	simm.s32 $0x3  }
0x14: {  	s9 =	sadd.s32 s9, s31;
	s11 =	sadd.s32 $0x9E00, s14;
	s14 =	simm.s32 $0x5  }
.LBB2_1:
0x15: {  	[spmem:s13], [sflag:s6] =	dma.local [hbm:s5], $0x2800  }
0x16: {  	_ =	swait.ge [sflag:s14], $0x2800  }
0x17: {  	[sflag:s14] =	ssyncset.done $0x0  }
0x18: {  	[sflag:s14] =	ssyncadd.s32 $0xFFFFD800  }
0x19: {  	[bflag:$0x0] =	sbarrier.arrive $0xFFFF  }
0x1a: {  	[tilespmem:s3], [sflag:$0x5] =	stream.linear.gather [hbm4b:s7+s3], $0x1400, $0x38;
	[tilespmem:$0x1E800] =	vst v63  }
0x1b: {  	_ =	swait.ge [sflag:s14], $0x1400  }
0x1c: {  	[sflag:s14] =	ssyncset.done $0x0  }
0x1d: {  	[sflag:s14] =	ssyncadd.s32 $0xFFFFEC00  }
0x1e: {  	[tilespmem:s15], [sflag:$0x5] =	stream.linear.gather [hbm4b:s8+s3], $0x1400, $0x38;
	[tilespmem:$0x1E800] =	vst v63  }
0x1f: {  	_ =	swait.ge [sflag:s14], $0x1400  }
0x20: {  	[sflag:s14] =	ssyncset.done $0x0  }
0x21: {  	[sflag:s14] =	ssyncadd.s32 $0xFFFFEC00  }
0x22: {  	[tilespmem:s17], [sflag:$0x1] =	stream.indirect.gather [hbm4b:s4+s16], $0x80, s3, s16, $0xb8;
	[tilespmem:$0x1E800] =	vst v63  }
0x23: {  	_ = 	snop  }
0x24: {  	[tilespmem:s18], [sflag:$0x2] =	stream.indirect.gather [hbm4b:s4+s16], $0x80, s16, s16, $0xb8;
	[tilespmem:$0x1E800] =	vst v63  }
0x25: {  	_ =	swait.ge [sflag:s19], $0x4000  }
0x26: {  	[sflag:s19] =	ssyncset.done $0x0  }
0x27: {  	s26 =	simm.s32 $0x1400;
	[sflag:s19] =	ssyncadd.s32 $0xFFFFC000  }
0x28: {  	[spmem:s1] =	stream.indirect.scatter.add.f32 [tilespmem:s17], [sflag:$0x3], $0x80, s26, s16, $0xb8;
	[tilespmem:$0x1E800] =	vst v63  }
0x29: {  	_ =	swait.ge [sflag:s20], $0x4000  }
0x2a: {  	[sflag:s20] =	ssyncset.done $0x0  }
0x2b: {  	s30 =	simm.s32 $0x1480;
	[sflag:s20] =	ssyncadd.s32 $0xFFFFC000  }
0x2c: {  	[spmem:s1] =	stream.indirect.scatter.add.f32 [tilespmem:s18], [sflag:$0x4], $0x80, s30, s16, $0xb8;
	[tilespmem:$0x1E800] =	vst v63  }
0x2d: {  	_ =	swait.ge [sflag:s21], $0x4000  }
0x2e: {  	[sflag:s21] =	ssyncset.done $0x0  }
0x2f: {  	s31 =	simm.s32 $0x100;
	[sflag:s21] =	ssyncadd.s32 $0xFFFFC000  }
0x30: {  	[tilespmem:s17], [sflag:$0x1] =	stream.indirect.gather [hbm4b:s4+s16], $0x80, s31, s16, $0xb8;
	[tilespmem:$0x1E800] =	vst v63  }
0x31: {  	_ =	swait.ge [sflag:s22], $0x4000  }
0x32: {  	[sflag:s22] =	ssyncset.done $0x0  }
0x33: {  	s28 =	simm.s32 $0x180;
	s26 =	simm.s32 $0x400;
	[sflag:s22] =	ssyncadd.s32 $0xFFFFC000  }
.LBB2_2:
0x34: {  	[tilespmem:s18], [sflag:$0x2] =	stream.indirect.gather [hbm4b:s4+s16], $0x80, s28, s16, $0xb8;
	[tilespmem:$0x1E800] =	vst v63  }
0x35: {  	s28 =	smov.u32 s26  }
0x36: {  	p0 =	sne.s32 s26, $0x4800;
	s26 =	sadd.s32 $0x400, s26;
	_ =	swait.ge [sflag:s19], $0x4000  }
0x37: {  	s28 =	sshra.s32 s28, $0x2;
	[sflag:s19] =	ssyncset.done $0x0  }
0x38: {  	s29 =	sadd.s32 $0x1400, s28;
	[sflag:s19] =	ssyncadd.s32 $0xFFFFC000  }
0x39: {  	[spmem:s1] =	stream.indirect.scatter.add.f32 [tilespmem:s17], [sflag:$0x3], $0x80, s29, s16, $0xb8;
	[tilespmem:$0x1E800] =	vst v63  }
0x3a: {  	_ =	swait.ge [sflag:s20], $0x4000  }
0x3b: {  	[sflag:s20] =	ssyncset.done $0x0  }
0x3c: {  	s29 =	sadd.s32 $0x1480, s28;
	[sflag:s20] =	ssyncadd.s32 $0xFFFFC000  }
0x3d: {  	[spmem:s1] =	stream.indirect.scatter.add.f32 [tilespmem:s18], [sflag:$0x4], $0x80, s29, s16, $0xb8;
	[tilespmem:$0x1E800] =	vst v63  }
0x3e: {  	_ =	swait.ge [sflag:s21], $0x4000  }
0x3f: {  	[sflag:s21] =	ssyncset.done $0x0  }
.Ltmp0:
0x40: {  	s29 =	sadd.s32 $0x100, s28;
	[sflag:s21] =	ssyncadd.s32 $0xFFFFC000;
	(pc) =	sbr.rel @p0 .LBB2_2-.Ltmp0, $4  }
0x41: {  	[tilespmem:s17], [sflag:$0x1] =	stream.indirect.gather [hbm4b:s4+s16], $0x80, s29, s16, $0xb8;
	[tilespmem:$0x1E800] =	vst v63  }
0x42: {  	_ =	swait.ge [sflag:s22], $0x4000  }
0x43: {  	[sflag:s22] =	ssyncset.done $0x0  }
0x44: {  	s28 =	sadd.s32 $0x180, s28;
	[sflag:s22] =	ssyncadd.s32 $0xFFFFC000  }
0x45: {  	[tilespmem:s18], [sflag:$0x2] =	stream.indirect.gather [hbm4b:s4+s16], $0x80, s28, s16, $0xb8;
	[tilespmem:$0x1E800] =	vst v63  }
0x46: {  	_ =	swait.ge [sflag:s19], $0x4000  }
0x47: {  	[sflag:s19] =	ssyncset.done $0x0  }
0x48: {  	[sflag:s19] =	ssyncadd.s32 $0xFFFFC000  }
0x49: {  	[spmem:s1] =	stream.indirect.scatter.add.f32 [tilespmem:s17], [sflag:$0x3], $0x80, s23, s16, $0xb8;
	[tilespmem:$0x1E800] =	vst v63  }
0x4a: {  	_ =	swait.ge [sflag:s20], $0x4000  }
0x4b: {  	[sflag:s20] =	ssyncset.done $0x0  }
0x4c: {  	[sflag:s20] =	ssyncadd.s32 $0xFFFFC000  }
0x4d: {  	[spmem:s1] =	stream.indirect.scatter.add.f32 [tilespmem:s18], [sflag:$0x4], $0x80, s24, s16, $0xb8;
	[tilespmem:$0x1E800] =	vst v63  }
0x4e: {  	_ =	swait.ge [sflag:s21], $0x4000  }
0x4f: {  	[sflag:s21] =	ssyncset.done $0x0  }
0x50: {  	[sflag:s21] =	ssyncadd.s32 $0xFFFFC000  }
0x51: {  	_ =	swait.ge [sflag:s22], $0x4000  }
0x52: {  	[sflag:s22] =	ssyncset.done $0x0  }
0x53: {  	s26 =	simm.s32 $0x0;
	[sflag:s22] =	ssyncadd.s32 $0xFFFFC000  }
0x54: {  	[tilespmem:s26], [sflag:$0x5] =	stream.linear.gather [hbm4b:s9+s26], $0x1400, $0x38;
	[tilespmem:$0x1E800] =	vst v63  }
0x55: {  	_ =	swait.ge [sflag:s14], $0x1400  }
0x56: {  	[sflag:s14] =	ssyncset.done $0x0  }
0x57: {  	[sflag:s14] =	ssyncadd.s32 $0xFFFFEC00  }
0x58: {  	[tilespmem:s15], [sflag:$0x5] =	stream.linear.gather [hbm4b:s10+s26], $0x1400, $0x38;
	[tilespmem:$0x1E800] =	vst v63  }
0x59: {  	_ =	swait.ge [sflag:s14], $0x1400  }
0x5a: {  	[sflag:s14] =	ssyncset.done $0x0  }
0x5b: {  	[sflag:s14] =	ssyncadd.s32 $0xFFFFEC00  }
0x5c: {  	[tilespmem:s17], [sflag:$0x1] =	stream.indirect.gather [hbm4b:s4+s16], $0x80, s26, s16, $0xb8;
	[tilespmem:$0x1E800] =	vst v63  }
0x5d: {  	_ = 	snop  }
0x5e: {  	[tilespmem:s18], [sflag:$0x2] =	stream.indirect.gather [hbm4b:s4+s16], $0x80, s16, s16, $0xb8;
	[tilespmem:$0x1E800] =	vst v63  }
0x5f: {  	_ =	swait.ge [sflag:s19], $0x4000  }
0x60: {  	[sflag:s19] =	ssyncset.done $0x0  }
0x61: {  	s29 =	simm.s32 $0x1400;
	[sflag:s19] =	ssyncadd.s32 $0xFFFFC000  }
0x62: {  	[spmem:s1] =	stream.indirect.scatter.add.f32 [tilespmem:s17], [sflag:$0x3], $0x80, s29, s16, $0xb8;
	[tilespmem:$0x1E800] =	vst v63  }
0x63: {  	_ =	swait.ge [sflag:s20], $0x4000  }
0x64: {  	[sflag:s20] =	ssyncset.done $0x0  }
0x65: {  	s30 =	simm.s32 $0x1480;
	[sflag:s20] =	ssyncadd.s32 $0xFFFFC000  }
0x66: {  	[spmem:s1] =	stream.indirect.scatter.add.f32 [tilespmem:s18], [sflag:$0x4], $0x80, s30, s16, $0xb8;
	[tilespmem:$0x1E800] =	vst v63  }
0x67: {  	_ =	swait.ge [sflag:s21], $0x4000  }
0x68: {  	[sflag:s21] =	ssyncset.done $0x0  }
0x69: {  	s31 =	simm.s32 $0x100;
	[sflag:s21] =	ssyncadd.s32 $0xFFFFC000  }
0x6a: {  	[tilespmem:s17], [sflag:$0x1] =	stream.indirect.gather [hbm4b:s4+s16], $0x80, s31, s16, $0xb8;
	[tilespmem:$0x1E800] =	vst v63  }
0x6b: {  	_ =	swait.ge [sflag:s22], $0x4000  }
0x6c: {  	[sflag:s22] =	ssyncset.done $0x0  }
0x6d: {  	s28 =	simm.s32 $0x180;
	s26 =	simm.s32 $0x400;
	[sflag:s22] =	ssyncadd.s32 $0xFFFFC000  }
.LBB2_4:
0x6e: {  	[tilespmem:s18], [sflag:$0x2] =	stream.indirect.gather [hbm4b:s4+s16], $0x80, s28, s16, $0xb8;
	[tilespmem:$0x1E800] =	vst v63  }
0x6f: {  	s28 =	smov.u32 s26  }
0x70: {  	p0 =	sne.s32 s26, $0x4800;
	s26 =	sadd.s32 $0x400, s26;
	_ =	swait.ge [sflag:s19], $0x4000  }
0x71: {  	s28 =	sshra.s32 s28, $0x2;
	[sflag:s19] =	ssyncset.done $0x0  }
0x72: {  	s29 =	sadd.s32 $0x1400, s28;
	[sflag:s19] =	ssyncadd.s32 $0xFFFFC000  }
0x73: {  	[spmem:s1] =	stream.indirect.scatter.add.f32 [tilespmem:s17], [sflag:$0x3], $0x80, s29, s16, $0xb8;
	[tilespmem:$0x1E800] =	vst v63  }
0x74: {  	_ =	swait.ge [sflag:s20], $0x4000  }
0x75: {  	[sflag:s20] =	ssyncset.done $0x0  }
0x76: {  	s29 =	sadd.s32 $0x1480, s28;
	[sflag:s20] =	ssyncadd.s32 $0xFFFFC000  }
0x77: {  	[spmem:s1] =	stream.indirect.scatter.add.f32 [tilespmem:s18], [sflag:$0x4], $0x80, s29, s16, $0xb8;
	[tilespmem:$0x1E800] =	vst v63  }
0x78: {  	_ =	swait.ge [sflag:s21], $0x4000  }
0x79: {  	[sflag:s21] =	ssyncset.done $0x0  }
.Ltmp1:
0x7a: {  	s29 =	sadd.s32 $0x100, s28;
	[sflag:s21] =	ssyncadd.s32 $0xFFFFC000;
	(pc) =	sbr.rel @p0 .LBB2_4-.Ltmp1, $4  }
0x7b: {  	[tilespmem:s17], [sflag:$0x1] =	stream.indirect.gather [hbm4b:s4+s16], $0x80, s29, s16, $0xb8;
	[tilespmem:$0x1E800] =	vst v63  }
0x7c: {  	_ =	swait.ge [sflag:s22], $0x4000  }
0x7d: {  	[sflag:s22] =	ssyncset.done $0x0  }
0x7e: {  	s28 =	sadd.s32 $0x180, s28;
	[sflag:s22] =	ssyncadd.s32 $0xFFFFC000  }
0x7f: {  	[tilespmem:s18], [sflag:$0x2] =	stream.indirect.gather [hbm4b:s4+s16], $0x80, s28, s16, $0xb8;
	[tilespmem:$0x1E800] =	vst v63  }
0x80: {  	_ =	swait.ge [sflag:s19], $0x4000  }
0x81: {  	[sflag:s19] =	ssyncset.done $0x0  }
0x82: {  	[sflag:s19] =	ssyncadd.s32 $0xFFFFC000  }
0x83: {  	[spmem:s1] =	stream.indirect.scatter.add.f32 [tilespmem:s17], [sflag:$0x3], $0x80, s23, s16, $0xb8;
	[tilespmem:$0x1E800] =	vst v63  }
0x84: {  	_ =	swait.ge [sflag:s20], $0x4000  }
0x85: {  	[sflag:s20] =	ssyncset.done $0x0  }
0x86: {  	[sflag:s20] =	ssyncadd.s32 $0xFFFFC000  }
0x87: {  	[spmem:s1] =	stream.indirect.scatter.add.f32 [tilespmem:s18], [sflag:$0x4], $0x80, s24, s16, $0xb8;
	[tilespmem:$0x1E800] =	vst v63  }
0x88: {  	_ =	swait.ge [sflag:s21], $0x4000  }
0x89: {  	[sflag:s21] =	ssyncset.done $0x0  }
0x8a: {  	[sflag:s21] =	ssyncadd.s32 $0xFFFFC000  }
0x8b: {  	_ =	swait.ge [sflag:s22], $0x4000  }
0x8c: {  	s25 =	sadd.s32 $0x1, s25;
	[sflag:s22] =	ssyncset.done $0x0  }
0x8d: {  	p0 =	sne.s32 s25, s12;
	[sflag:s22] =	ssyncadd.s32 $0xFFFFC000  }
.Ltmp2:
0x8e: {  	[bflag:$0x0] =	sbarrier.arrive $0xFFFF;
	(pc) =	sbr.rel @p0 .LBB2_1-.Ltmp2, $4  }
0x8f: {  	[hbm:s11], [sflag:s6] =	dma.local [spmem:s13], $0x2800  }
0x90: {  	_ =	swait.ge [sflag:s14], $0x2800  }
0x91: {  	[sflag:s14] =	ssyncset.done $0x0  }
0x92: {  	[sflag:s14] =	ssyncadd.s32 $0xFFFFD800  }
0x93: {  	_ =	sfence.sel $0x180000  }
0x94: {  	[bflag:$0x0] =	sbarrier.arrive $0xFFFF  }
0x95: {  	p0 =	sne.s32 s2, $0x0;
	_ =	strace $0x9000004A  }
0x96: {  	s0 =	sadd.s32 @!p0 $0x100000, s0;
	[bflag:$0x2] =	sbarrier.arrive $0xFFFF  }
0x97: {  	[sflag:s0] =	ssyncadd.tile.s32 @!p0 $0x1;
	_ =	shalt  }
.Lfunc_end2:
_tile_overlayer_lowered:
.L_overlay_start_2:
0x98: {  	(tag) =	ssettag $0x2  }
0x99: {  	s0 =	rddreg [dreg:$0x0];
	s2 =	stileid.u32  }
0x9a: {  	s1 =	rddreg [dreg:$0x1];
	p0 =	sne.s32 s2, $0x0  }
0x9b: {  	s3 =	rddreg [dreg:$0x2];
	[bflag:$0x3] =	sbarrier.arrive $0xFFFF;
	s2 =	simm.s32 @!p0 $0x1C05  }
0x9c: {  	[timem:s3], [sflag:s2] =	dma.local @!p0 [hbm:s0], s1  }
0x9d: {  	s0 =	simm.s32 @!p0 $0x5  }
0x9e: {  	_ =	swait.ge @!p0 [sflag:s0], s1  }
0x9f: {  	s1 =	ssub.s32 @!p0 $0x0, s1;
	[sflag:s0] =	ssyncset.done @!p0 $0x0  }
0xa0: {  	[sflag:s0] =	ssyncadd.s32 @!p0 s1  }
0xa1: {  	[bflag:$0x3] =	sbarrier.arrive $0xFFFF  }
0xa2: {  	_ =	shalt  }

// kernel: kernel.14.cloned.1.call-start
scs
__scs_entry_jumppad:
0x0: {  	(pc) =	sbr.rel $0x88, $3  }
0x1: {  	(tag) =	ssettag $0x0;
	lr =	simm.s32 $0x1  }
0x2: {  	[smem:$0x3F9B] =	sst lr;
	_ =	strace $0xD0000000  }
0x3: {  	_ = 	snop  }
0x4: {  	_ = 	snop  }
0x5: {  	_ = 	snop  }
0x6: {  	_ = 	snop  }
0x7: {  	_ = 	snop  }
__scs_overlays_trampoline_lowered:
0x8: {  	[smem:$0x3FAA] =	sst s0  }
0x9: {  	[smem:$0x3FAB] =	sst s1  }
0xa: {  	[smem:$0x3FAC] =	sst s2  }
0xb: {  	[smem:$0x3FAD] =	sst s3  }
0xc: {  	[smem:$0x3FAE] =	sst s4  }
0xd: {  	[smem:$0x3FAF] =	sst s5  }
0xe: {  	[smem:$0x3FB0] =	sst s6  }
0xf: {  	[smem:$0x3FB1] =	sst s7  }
0x10: {  	[smem:$0x3FB2] =	sst s8  }
0x11: {  	[smem:$0x3FB3] =	sst s9;
	s0 =	simm.s32 @!p0 $0x0  }
0x12: {  	s1 =	sld [smem:$0x3F99];
	s0 =	simm.s32 @p0 $0x1  }
0x13: {  	[smem:$0x3FB4] =	sst s0;
	s0 =	simm.s32 @!p1 $0x0  }
0x14: {  	s2 =	sld [smem:$0x3F98];
	s0 =	simm.s32 @p1 $0x1  }
0x15: {  	[smem:$0x3FB5] =	sst s0;
	s0 =	simm.s32 @!p2 $0x0  }
0x16: {  	s3 =	sld [smem:$0x3FDB];
	s0 =	simm.s32 @p2 $0x1  }
0x17: {  	s4 =	simm.s32 $0x1BF5;
	[smem:$0x3FB7] =	sst s0  }
0x18: {  	s0 =	sld [smem:$0x3F9A];
	_ =	swait.ge [sflag:s4], $0x0  }
0x19: {  	s7 =	sld [smem:$0x3F9B]  }
0x1a: {  	s8 =	sadd.s32 $0xFFFFE003, lr  }
0x1b: {  	s9 =	sadd.s32 $0xFFFFFEF7, lr;
	s5 =	simm.s32 $0xFFFFFFFF;
	p2 =	slt.u32 s8, $0xFFFFF086  }
0x1c: {  	p1 =	slt.u32 s9, $0xF7A;
	s5 =	simm.s32 @!p2 $0x0  }
0x1d: {  	s5 =	simm.s32 @p1 $0x1;
	p0 =	seq.s32 s7, s2  }
0x1e: {  	s7 =	smul.u32 @!p0 $0xF7A, s2;
	p2 =	seq.s32 @!p0 s5, $0x0  }
0x1f: {  	s9 =	smul.u32 $0xF7A, s1;
	s8 =	simm.s32 @!p0 $0x1BF5;
	p2 =	por !p2, p0  }
0x20: {  	[sflag:s8] =	ssyncset.s32 @!p0 $0xFFFFF086;
	s6 =	sadd.s32 @!p0 s3, s7;
	s7 =	simm.s32 @!p0 $0x108  }
0x21: {  	s3 =	sadd.s32 s3, s9;
	s6 =	sadd.s32 @!p0 $0x88, s6;
	s7 =	simm.s32 @p2 $0x1082  }
0x22: {  	[simem:s7], [sflag:s8] =	dma.local @!p0 [hbm:s6], $0xF7A  }
0x23: {  	s9 =	sor.u32 $0xD0000000, s2;
	s6 =	simm.s32 $0x108;
	_ =	swait.ge @!p0 [sflag:s8], $0x0  }
0x24: {  	s3 =	sadd.s32 $0x88, s3;
	s6 =	simm.s32 @!p1 $0x1082;
	[sflag:s4] =	ssyncset.s32 $0xFFFFF086  }
0x25: {  	[simem:s6], [sflag:s4] =	dma.local [hbm:s3], $0xF7A  }
0x26: {  	[smem:$0x3F9B] =	sst s1;
	(tag) =	ssettag s2;
	_ =	strace s9  }
0x27: {  	s1 =	sld [smem:$0x3FAB]  }
0x28: {  	s2 =	sld [smem:$0x3FAC]  }
0x29: {  	s4 =	sld [smem:$0x3FAE]  }
0x2a: {  	p0 =	seq.s32 s5, $0x0;
	s5 =	sld [smem:$0x3FAF]  }
0x2b: {  	s6 =	sld [smem:$0x3FB0]  }
0x2c: {  	s7 =	sld [smem:$0x3FB1]  }
0x2d: {  	s3 =	simm.s32 $0x108;
	s8 =	sld [smem:$0x3FB2]  }
0x2e: {  	s3 =	simm.s32 @!p0 $0x1082;
	s9 =	sld [smem:$0x3FB3]  }
0x2f: {  	lr =	sadd.s32 s0, s3;
	s0 =	sld [smem:$0x3FAA]  }
0x30: {  	s3 =	sld [smem:$0x3FAD]  }
0x31: {  	[smem:$0x3FB6] =	sst s10  }
0x32: {  	s10 =	sld [smem:$0x3FB4];
	_ =	sdelay $0x3  }
0x33: {  	p0 =	seq.s32 s10, $0x1;
	s10 =	sld [smem:$0x3FB6];
	_ =	sdelay $0x3  }
0x34: {  	[smem:$0x3FB6] =	sst s10  }
0x35: {  	s10 =	sld [smem:$0x3FB5];
	_ =	sdelay $0x3  }
0x36: {  	p1 =	seq.s32 s10, $0x1;
	s10 =	sld [smem:$0x3FB6];
	_ =	sdelay $0x3  }
0x37: {  	[smem:$0x3FB6] =	sst s10  }
0x38: {  	s10 =	sld [smem:$0x3FB7]  }
0x39: {  	_ = 	snop;
	(pc) =	sbr.ind lr, $3  }
0x3a: {  	_ = 	snop  }
0x3b: {  	_ = 	snop  }
0x3c: {  	p2 =	seq.s32 s10, $0x1;
	s10 =	sld [smem:$0x3FB6]  }
0x3d: {  	_ =	shalt  }
0x3e: {  	_ =	shalt  }
0x3f: {  	_ =	shalt  }
0x40: {  	_ =	shalt  }
0x41: {  	_ =	shalt  }
0x42: {  	_ =	shalt  }
0x43: {  	_ =	shalt  }
0x44: {  	_ =	shalt  }
0x45: {  	_ =	shalt  }
0x46: {  	_ =	shalt  }
0x47: {  	_ =	shalt  }
0x48: {  	_ =	shalt  }
0x49: {  	_ =	shalt  }
0x4a: {  	_ =	shalt  }
0x4b: {  	_ =	shalt  }
0x4c: {  	_ =	shalt  }
0x4d: {  	_ =	shalt  }
0x4e: {  	_ =	shalt  }
0x4f: {  	_ =	shalt  }
0x50: {  	_ =	shalt  }
0x51: {  	_ =	shalt  }
0x52: {  	_ =	shalt  }
0x53: {  	_ =	shalt  }
0x54: {  	_ =	shalt  }
0x55: {  	_ =	shalt  }
0x56: {  	_ =	shalt  }
0x57: {  	_ =	shalt  }
0x58: {  	_ =	shalt  }
0x59: {  	_ =	shalt  }
0x5a: {  	_ =	shalt  }
0x5b: {  	_ =	shalt  }
0x5c: {  	_ =	shalt  }
0x5d: {  	_ =	shalt  }
0x5e: {  	_ =	shalt  }
0x5f: {  	_ =	shalt  }
0x60: {  	_ =	shalt  }
0x61: {  	_ =	shalt  }
0x62: {  	_ =	shalt  }
0x63: {  	_ =	shalt  }
0x64: {  	_ =	shalt  }
0x65: {  	_ =	shalt  }
0x66: {  	_ =	shalt  }
0x67: {  	_ =	shalt  }
0x68: {  	_ =	shalt  }
0x69: {  	_ =	shalt  }
0x6a: {  	_ =	shalt  }
0x6b: {  	_ =	shalt  }
0x6c: {  	_ =	shalt  }
0x6d: {  	_ =	shalt  }
0x6e: {  	_ =	shalt  }
0x6f: {  	_ =	shalt  }
0x70: {  	_ =	shalt  }
0x71: {  	_ =	shalt  }
0x72: {  	_ =	shalt  }
0x73: {  	_ =	shalt  }
0x74: {  	_ =	shalt  }
0x75: {  	_ =	shalt  }
0x76: {  	_ =	shalt  }
0x77: {  	_ =	shalt  }
0x78: {  	_ =	shalt  }
0x79: {  	_ =	shalt  }
0x7a: {  	_ =	shalt  }
0x7b: {  	_ =	shalt  }
0x7c: {  	_ =	shalt  }
0x7d: {  	_ =	shalt  }
0x7e: {  	_ =	shalt  }
0x7f: {  	_ =	shalt  }
0x80: {  	_ =	shalt  }
0x81: {  	_ =	shalt  }
0x82: {  	_ =	shalt  }
0x83: {  	_ =	shalt  }
0x84: {  	_ =	shalt  }
0x85: {  	_ =	shalt  }
0x86: {  	_ =	shalt  }
0x87: {  	_ =	shalt  }
.Lfunc_end0:
.L_simem_size_0:
called_computation.2_lowered:
.L_overlay_start_0:
0x88: {  	s2 =	sld [smem:$0x3FD9]  }
0x89: {  	s3 =	sld [smem:$0x3FFE];
	_ =	sdelay $0x1  }
0x8a: {  	s1 =	srdreg.scid  }
0x8b: {  	s0 =	sand.u32 $0x1, s1  }
0x8c: {  	s17 =	sshll.u32 s0, $0xA;
	s2 =	sadd.s32 s3, s2  }
0x8d: {  	s2 =	sadd.s32 s2, s17  }
0x8e: {  	[smem:$0x3FC2] =	sst s2  }
0x8f: {  	_ = 	snop  }
0x90: {  	s2 =	sld [smem:$0x3FD0];
	(tm) =	ssettm $0x1  }
0x91: {  	s18 =	sld [smem:$0x3FFB];
	_ =	sdelay $0x3  }
0x92: {  	_ =	strace s18  }
0x93: {  	s3 =	sld [smem:$0x3FFC];
	_ =	sdelay $0x3  }
0x94: {  	_ =	strace s3  }
0x95: {  	s3 =	sld [smem:$0x3FFD];
	_ =	sdelay $0x3  }
0x96: {  	_ =	strace s3  }
0x97: {  	_ =	strace $0x8FFFFFFF  }
0x98: {  	s19 =	sld [smem:$0x3FDB];
	_ =	sdelay $0x1  }
0x99: {  	s4 =	simm.s32 $_scs_section_size  }
0x9a: {  	s5 =	simm.s32 $_size__tile_overlayer_lowered;
	s6 =	simm.s32 $_tile_overlayer_lowered  }
0x9b: {  	s22 =	simm.s32 $0x1BFF;
	s21 =	sshll.u32 s6, $0x1;
	s3 =	sadd.s32 s4, s19  }
0x9c: {  	s7 =	simm.s32 $0x0;
	s20 =	sshll.u32 s5, $0x1;
	s5 =	sadd.s32 s21, s3  }
0x9d: {  	[timem:s7], [sflag:s22] =	dma.local [hbm:s5], s20  }
0x9e: {  	_ =	swait.ge [sflag:s22], s20  }
0x9f: {  	s4 =	ssub.s32 $0x0, s20;
	[sflag:s22] =	ssyncset.done $0x0  }
0xa0: {  	[sflag:s22] =	ssyncadd.s32 s4;
	_ =	sdelay $0x1  }
0xa1: {  	s23 =	simm.s32 $0x1B8B  }
0xa2: {  	_ =	swait.ge [sflag:s23], $0x1  }
0xa3: {  	[sflag:s23] =	ssyncset.done $0x0  }
0xa4: {  	s25 =	simm.s32 $0x1B8E;
	s24 =	sld [smem:$0x3FFE];
	[sflag:s23] =	ssyncadd.s32 $0xFFFFFFFF  }
0xa5: {  	s26 =	simm.s32 $execute0_lowered;
	[smem:$0x3FD2] =	sst s25  }
0xa6: {  	s5 =	sshll.u32 s26, $0x1;
	_ =	strace $0x8000004C;
	[dreg:$0x1] =	wrdreg $0xFFFFFFFF  }
0xa7: {  	s28 =	simm.s32 $_size_execute0_lowered;
	s3 =	sadd.s32 s3, s5;
	[dreg:$0x0] =	wrdreg $0x0  }
0xa8: {  	s5 =	sshll.u32 s28, $0x1;
	[dreg:$0x2] =	wrdreg s3  }
0xa9: {  	[dreg:$0x3] =	wrdreg s5  }
0xaa: {  	[dreg:$0x4] =	wrdreg $0xC0  }
0xab: {  	_ =	task [dreg:s7], $0x5FFFF  }
0xac: {  	[dreg:$0x1] =	wrdreg $0xFFFFFFFF  }
0xad: {  	[dreg:$0x0] =	wrdreg $0x60  }
0xae: {  	[dreg:$0x2] =	wrdreg s24  }
0xaf: {  	[dreg:$0x3] =	wrdreg s2  }
0xb0: {  	[dreg:$0x4] =	wrdreg $0xA8000  }
0xb1: {  	[dreg:$0x5] =	wrdreg $0x9  }
0xb2: {  	_ =	task.clear_ibuf [dreg:s7], $0x6FFFF;
	_ =	strace $0x9000004C  }
0xb3: {  	s29 =	simm.s32 $0x9;
	_ =	strace $0x8000004E  }
0xb4: {  	_ =	swait.ge [sflag:s29], $0x1  }
0xb5: {  	[sflag:s29] =	ssyncadd.s32 $0xFFFFFFFF  }
0xb6: {  	_ =	strace $0x9000004E  }
0xb7: {  	_ =	sfence  }
0xb8: {  	s30 =	sld [smem:$0x0];
	_ =	sdelay $0x2  }
0xb9: {  	s31 =	sshll.u32 s1, $0xD;
	s1 =	sshrl.u32 s1, $0x2  }
0xba: {  	s3 =	sand.u32 $0x4000, s31;
	s1 =	sadd.s32 s1, s30  }
0xbb: {  	s0 =	sor.u32 s3, s0;
	s1 =	sshll.u32 s1, $0x11  }
0xbc: {  	s0 =	sor.u32 s1, s0  }
0xbd: {  	s0 =	sadd.s32 $0x8F2B, s0  }
0xbe: {  	[sflag:s0] =	ssyncadd.remote.s32 $0x1  }
0xbf: {  	_ =	sfence.sel $0xFFFF  }
0xc0: {  	[dreg:$0x0] =	wrdreg $0xFFFFFFFF;
	(pc) =	sbr.abs _section_cstart, $3  }
0xc1: {  	[dreg:$0x1] =	wrdreg $0xFFFFFFFF  }
0xc2: {  	_ =	task.clear_ibuf [dreg:s7], $0x2FFFF;
	_ =	strace $0x9FFFFFFF  }
0xc3: {  	(tm) =	ssettm $0x7FFFFFFF  }
tec
execute0_lowered:
.L_overlay_start_1:
0x0: {  	(tag) =	ssettag $0x1  }
0x1: {  	s6 =	rddreg [dreg:$0x0]  }
0x2: {  	s0 =	srdreg.scid;
	s7 =	rddreg [dreg:$0x1]  }
0x3: {  	s2 =	rddreg [dreg:$0x2];
	s3 =	simm.s32 $0x0;
	s16 =	simm.s32 $0x6800  }
0x4: {  	s17 =	simm.s32 $0x1;
	s18 =	simm.s32 $0x2;
	s19 =	simm.s32 $0x3  }
0x5: {  	s20 =	simm.s32 $0x4;
	s21 =	simm.s32 $0x2700;
	s22 =	simm.s32 $0x2780  }
0x6: {  	s23 =	simm.s32 $0x0;
	s5 =	sand.u32 $0x1, s0;
	s0 =	stileid.u32  }
0x7: {  	[smem:$0x7FF] =	sst s3;
	s4 =	sadd.s32 $0x9E00, s6;
	s9 =	smul.u32 $0x2800, s0  }
0x8: {  	s15 =	sadd.s32 $0x7600, s6;
	s1 =	sshll.u32 s5, $0x4;
	s11 =	smul.u32 $0x28000, s5  }
0x9: {  	s13 =	ssub.s32 $0x2, s5;
	s14 =	smul.u32 $0x50000, s0;
	p0 =	seq.s32 s5, $0x1  }
0xa: {  	s31 =	sshll.u32 s0, $0x6;
	s1 =	sor.u32 s0, s1;
	s26 =	sshrl.u32 s13, $0x1  }
0xb: {  	s8 =	smul.u32 $0x1400, s1;
	s1 =	rddreg [dreg:$0x3];
	_ =	strace $0x8000004D  }
0xc: {  	s12 =	sadd.s32 s9, s11;
	s13 =	ssub.s32 s13, s26;
	s28 =	sshrl.u32 s14, $0x2  }
0xd: {  	s5 =	sadd.s32 s4, s9;
	s14 =	simm.s32 $0x80;
	s12 =	sadd.s32 s12, s6  }
0xe: {  	s29 =	sadd.s32 s28, s2;
	s9 =	smax.u32 s13, $0x1;
	s5 =	smov.u32 @p0 s15  }
0xf: {  	s13 =	simm.s32 $0x1400;
	s15 =	simm.s32 $0x2800;
	s10 =	sshrl.u32 s8, $0x3  }
0x10: {  	s8 =	sadd.s32 s11, s8;
	s11 =	sshrl.u32 s29, $0x3;
	s10 =	sadd.s32 s10, s6  }
0x11: {  	s30 =	sshrl.u32 s8, $0x3;
	s8 =	sadd.s32 $0x59E00, s12;
	s12 =	simm.s32 $0x5  }
0x12: {  	s6 =	sadd.s32 s7, s30;
	s7 =	sadd.s32 $0x1E00, s10;
	s10 =	sor.u32 $0x1C05, s31  }
.LBB2_1:
0x13: {  	[spmem:s11], [sflag:s10] =	dma.local [hbm:s5], $0x2800  }
0x14: {  	_ =	swait.ge [sflag:s12], $0x2800  }
0x15: {  	[sflag:s12] =	ssyncset.done $0x0  }
0x16: {  	[sflag:s12] =	ssyncadd.s32 $0xFFFFD800  }
0x17: {  	[tilespmem:s3], [sflag:$0x5] =	stream.linear.gather [hbm4b:s6+s3], $0x1400, $0x38;
	[tilespmem:$0x1E800] =	vst v63  }
0x18: {  	_ =	swait.ge [sflag:s12], $0x1400  }
0x19: {  	[sflag:s12] =	ssyncset.done $0x0  }
0x1a: {  	[sflag:s12] =	ssyncadd.s32 $0xFFFFEC00  }
0x1b: {  	[tilespmem:s13], [sflag:$0x5] =	stream.linear.gather [hbm4b:s7+s3], $0x1400, $0x38;
	[tilespmem:$0x1E800] =	vst v63  }
0x1c: {  	_ =	swait.ge [sflag:s12], $0x1400  }
0x1d: {  	[sflag:s12] =	ssyncset.done $0x0  }
0x1e: {  	[sflag:s12] =	ssyncadd.s32 $0xFFFFEC00  }
0x1f: {  	[bflag:$0x0] =	sbarrier.arrive $0xFFFF  }
0x20: {  	[tilespmem:s15], [sflag:$0x1] =	stream.indirect.gather [hbm4b:s4+s14], $0x80, s3, s14, $0xb8;
	[tilespmem:$0x1E800] =	vst v63  }
0x21: {  	_ = 	snop  }
0x22: {  	[tilespmem:s16], [sflag:$0x2] =	stream.indirect.gather [hbm4b:s4+s14], $0x80, s14, s14, $0xb8;
	[tilespmem:$0x1E800] =	vst v63  }
0x23: {  	_ =	swait.ge [sflag:s17], $0x4000  }
0x24: {  	[sflag:s17] =	ssyncset.done $0x0  }
0x25: {  	s24 =	simm.s32 $0x1400;
	[sflag:s17] =	ssyncadd.s32 $0xFFFFC000  }
0x26: {  	[spmem:s2] =	stream.indirect.scatter.add.f32 [tilespmem:s15], [sflag:$0x3], $0x80, s24, s14, $0xb8;
	[tilespmem:$0x1E800] =	vst v63  }
0x27: {  	_ =	swait.ge [sflag:s18], $0x4000  }
0x28: {  	[sflag:s18] =	ssyncset.done $0x0  }
0x29: {  	s30 =	simm.s32 $0x1480;
	[sflag:s18] =	ssyncadd.s32 $0xFFFFC000  }
0x2a: {  	[spmem:s2] =	stream.indirect.scatter.add.f32 [tilespmem:s16], [sflag:$0x4], $0x80, s30, s14, $0xb8;
	[tilespmem:$0x1E800] =	vst v63  }
0x2b: {  	_ =	swait.ge [sflag:s19], $0x4000  }
0x2c: {  	[sflag:s19] =	ssyncset.done $0x0  }
0x2d: {  	s31 =	simm.s32 $0x100;
	[sflag:s19] =	ssyncadd.s32 $0xFFFFC000  }
0x2e: {  	[tilespmem:s15], [sflag:$0x1] =	stream.indirect.gather [hbm4b:s4+s14], $0x80, s31, s14, $0xb8;
	[tilespmem:$0x1E800] =	vst v63  }
0x2f: {  	_ =	swait.ge [sflag:s20], $0x4000  }
0x30: {  	[sflag:s20] =	ssyncset.done $0x0  }
0x31: {  	s25 =	simm.s32 $0x180;
	s24 =	simm.s32 $0x400;
	[sflag:s20] =	ssyncadd.s32 $0xFFFFC000  }
.LBB2_2:
0x32: {  	[tilespmem:s16], [sflag:$0x2] =	stream.indirect.gather [hbm4b:s4+s14], $0x80, s25, s14, $0xb8;
	[tilespmem:$0x1E800] =	vst v63  }
0x33: {  	s25 =	smov.u32 s24  }
0x34: {  	p0 =	sne.s32 s24, $0x4800;
	s24 =	sadd.s32 $0x400, s24;
	_ =	swait.ge [sflag:s17], $0x4000  }
0x35: {  	s25 =	sshra.s32 s25, $0x2;
	[sflag:s17] =	ssyncset.done $0x0  }
0x36: {  	s26 =	sadd.s32 $0x1400, s25;
	[sflag:s17] =	ssyncadd.s32 $0xFFFFC000  }
0x37: {  	[spmem:s2] =	stream.indirect.scatter.add.f32 [tilespmem:s15], [sflag:$0x3], $0x80, s26, s14, $0xb8;
	[tilespmem:$0x1E800] =	vst v63  }
0x38: {  	_ =	swait.ge [sflag:s18], $0x4000  }
0x39: {  	[sflag:s18] =	ssyncset.done $0x0  }
0x3a: {  	s26 =	sadd.s32 $0x1480, s25;
	[sflag:s18] =	ssyncadd.s32 $0xFFFFC000  }
0x3b: {  	[spmem:s2] =	stream.indirect.scatter.add.f32 [tilespmem:s16], [sflag:$0x4], $0x80, s26, s14, $0xb8;
	[tilespmem:$0x1E800] =	vst v63  }
0x3c: {  	_ =	swait.ge [sflag:s19], $0x4000  }
0x3d: {  	[sflag:s19] =	ssyncset.done $0x0  }
.Ltmp0:
0x3e: {  	s26 =	sadd.s32 $0x100, s25;
	[sflag:s19] =	ssyncadd.s32 $0xFFFFC000;
	(pc) =	sbr.rel @p0 .LBB2_2-.Ltmp0, $4  }
0x3f: {  	[tilespmem:s15], [sflag:$0x1] =	stream.indirect.gather [hbm4b:s4+s14], $0x80, s26, s14, $0xb8;
	[tilespmem:$0x1E800] =	vst v63  }
0x40: {  	_ =	swait.ge [sflag:s20], $0x4000  }
0x41: {  	[sflag:s20] =	ssyncset.done $0x0  }
0x42: {  	s25 =	sadd.s32 $0x180, s25;
	[sflag:s20] =	ssyncadd.s32 $0xFFFFC000  }
0x43: {  	[tilespmem:s16], [sflag:$0x2] =	stream.indirect.gather [hbm4b:s4+s14], $0x80, s25, s14, $0xb8;
	[tilespmem:$0x1E800] =	vst v63  }
0x44: {  	_ =	swait.ge [sflag:s17], $0x4000  }
0x45: {  	[sflag:s17] =	ssyncset.done $0x0  }
0x46: {  	[sflag:s17] =	ssyncadd.s32 $0xFFFFC000  }
0x47: {  	[spmem:s2] =	stream.indirect.scatter.add.f32 [tilespmem:s15], [sflag:$0x3], $0x80, s21, s14, $0xb8;
	[tilespmem:$0x1E800] =	vst v63  }
0x48: {  	_ =	swait.ge [sflag:s18], $0x4000  }
0x49: {  	[sflag:s18] =	ssyncset.done $0x0  }
0x4a: {  	[sflag:s18] =	ssyncadd.s32 $0xFFFFC000  }
0x4b: {  	[spmem:s2] =	stream.indirect.scatter.add.f32 [tilespmem:s16], [sflag:$0x4], $0x80, s22, s14, $0xb8;
	[tilespmem:$0x1E800] =	vst v63  }
0x4c: {  	_ =	swait.ge [sflag:s19], $0x4000  }
0x4d: {  	[sflag:s19] =	ssyncset.done $0x0  }
0x4e: {  	[sflag:s19] =	ssyncadd.s32 $0xFFFFC000  }
0x4f: {  	_ =	swait.ge [sflag:s20], $0x4000  }
0x50: {  	s23 =	sadd.s32 $0x1, s23;
	[sflag:s20] =	ssyncset.done $0x0  }
0x51: {  	p0 =	sne.s32 s23, s9;
	[sflag:s20] =	ssyncadd.s32 $0xFFFFC000  }
.Ltmp1:
0x52: {  	[bflag:$0x0] =	sbarrier.arrive $0xFFFF;
	(pc) =	sbr.rel @p0 .LBB2_1-.Ltmp1, $4  }
0x53: {  	[hbm:s8], [sflag:s10] =	dma.local [spmem:s11], $0x2800  }
0x54: {  	_ =	swait.ge [sflag:s12], $0x2800  }
0x55: {  	[sflag:s12] =	ssyncset.done $0x0  }
0x56: {  	[sflag:s12] =	ssyncadd.s32 $0xFFFFD800  }
0x57: {  	_ =	sfence.sel $0x180000  }
0x58: {  	[bflag:$0x0] =	sbarrier.arrive $0xFFFF  }
0x59: {  	p0 =	sne.s32 s0, $0x0;
	_ =	strace $0x9000004D  }
0x5a: {  	s0 =	sadd.s32 @!p0 $0x100000, s1;
	[bflag:$0x2] =	sbarrier.arrive $0xFFFF  }
0x5b: {  	[sflag:s0] =	ssyncadd.tile.s32 @!p0 $0x1;
	_ =	shalt  }
.Lfunc_end2:
_tile_overlayer_lowered:
.L_overlay_start_2:
0x5c: {  	(tag) =	ssettag $0x2  }
0x5d: {  	s0 =	rddreg [dreg:$0x0];
	s2 =	stileid.u32  }
0x5e: {  	s1 =	rddreg [dreg:$0x1];
	p0 =	sne.s32 s2, $0x0  }
0x5f: {  	s3 =	rddreg [dreg:$0x2];
	[bflag:$0x3] =	sbarrier.arrive $0xFFFF;
	s2 =	simm.s32 @!p0 $0x1C05  }
0x60: {  	[timem:s3], [sflag:s2] =	dma.local @!p0 [hbm:s0], s1  }
0x61: {  	s0 =	simm.s32 @!p0 $0x5  }
0x62: {  	_ =	swait.ge @!p0 [sflag:s0], s1  }
0x63: {  	s1 =	ssub.s32 @!p0 $0x0, s1;
	[sflag:s0] =	ssyncset.done @!p0 $0x0  }
0x64: {  	[sflag:s0] =	ssyncadd.s32 @!p0 s1  }
0x65: {  	[bflag:$0x3] =	sbarrier.arrive $0xFFFF  }
0x66: {  	_ =	shalt  }

// kernel: kernel.8.cloned.1.call-start
scs
__scs_entry_jumppad:
0x0: {  	(pc) =	sbr.rel $0x88, $3  }
0x1: {  	(tag) =	ssettag $0x0;
	lr =	simm.s32 $0x1  }
0x2: {  	[smem:$0x3F9B] =	sst lr;
	_ =	strace $0xD0000000  }
0x3: {  	_ = 	snop  }
0x4: {  	_ = 	snop  }
0x5: {  	_ = 	snop  }
0x6: {  	_ = 	snop  }
0x7: {  	_ = 	snop  }
__scs_overlays_trampoline_lowered:
0x8: {  	[smem:$0x3FAA] =	sst s0  }
0x9: {  	[smem:$0x3FAB] =	sst s1  }
0xa: {  	[smem:$0x3FAC] =	sst s2  }
0xb: {  	[smem:$0x3FAD] =	sst s3  }
0xc: {  	[smem:$0x3FAE] =	sst s4  }
0xd: {  	[smem:$0x3FAF] =	sst s5  }
0xe: {  	[smem:$0x3FB0] =	sst s6  }
0xf: {  	[smem:$0x3FB1] =	sst s7  }
0x10: {  	[smem:$0x3FB2] =	sst s8  }
0x11: {  	[smem:$0x3FB3] =	sst s9;
	s0 =	simm.s32 @!p0 $0x0  }
0x12: {  	s1 =	sld [smem:$0x3F99];
	s0 =	simm.s32 @p0 $0x1  }
0x13: {  	[smem:$0x3FB4] =	sst s0;
	s0 =	simm.s32 @!p1 $0x0  }
0x14: {  	s2 =	sld [smem:$0x3F98];
	s0 =	simm.s32 @p1 $0x1  }
0x15: {  	[smem:$0x3FB5] =	sst s0;
	s0 =	simm.s32 @!p2 $0x0  }
0x16: {  	s3 =	sld [smem:$0x3FDB];
	s0 =	simm.s32 @p2 $0x1  }
0x17: {  	s4 =	simm.s32 $0x1BF5;
	[smem:$0x3FB7] =	sst s0  }
0x18: {  	s0 =	sld [smem:$0x3F9A];
	_ =	swait.ge [sflag:s4], $0x0  }
0x19: {  	s7 =	sld [smem:$0x3F9B]  }
0x1a: {  	s8 =	sadd.s32 $0xFFFFE003, lr  }
0x1b: {  	s9 =	sadd.s32 $0xFFFFFEF7, lr;
	s5 =	simm.s32 $0xFFFFFFFF;
	p2 =	slt.u32 s8, $0xFFFFF086  }
0x1c: {  	p1 =	slt.u32 s9, $0xF7A;
	s5 =	simm.s32 @!p2 $0x0  }
0x1d: {  	s5 =	simm.s32 @p1 $0x1;
	p0 =	seq.s32 s7, s2  }
0x1e: {  	s7 =	smul.u32 @!p0 $0xF7A, s2;
	p2 =	seq.s32 @!p0 s5, $0x0  }
0x1f: {  	s9 =	smul.u32 $0xF7A, s1;
	s8 =	simm.s32 @!p0 $0x1BF5;
	p2 =	por !p2, p0  }
0x20: {  	[sflag:s8] =	ssyncset.s32 @!p0 $0xFFFFF086;
	s6 =	sadd.s32 @!p0 s3, s7;
	s7 =	simm.s32 @!p0 $0x108  }
0x21: {  	s3 =	sadd.s32 s3, s9;
	s6 =	sadd.s32 @!p0 $0x88, s6;
	s7 =	simm.s32 @p2 $0x1082  }
0x22: {  	[simem:s7], [sflag:s8] =	dma.local @!p0 [hbm:s6], $0xF7A  }
0x23: {  	s9 =	sor.u32 $0xD0000000, s2;
	s6 =	simm.s32 $0x108;
	_ =	swait.ge @!p0 [sflag:s8], $0x0  }
0x24: {  	s3 =	sadd.s32 $0x88, s3;
	s6 =	simm.s32 @!p1 $0x1082;
	[sflag:s4] =	ssyncset.s32 $0xFFFFF086  }
0x25: {  	[simem:s6], [sflag:s4] =	dma.local [hbm:s3], $0xF7A  }
0x26: {  	[smem:$0x3F9B] =	sst s1;
	(tag) =	ssettag s2;
	_ =	strace s9  }
0x27: {  	s1 =	sld [smem:$0x3FAB]  }
0x28: {  	s2 =	sld [smem:$0x3FAC]  }
0x29: {  	s4 =	sld [smem:$0x3FAE]  }
0x2a: {  	p0 =	seq.s32 s5, $0x0;
	s5 =	sld [smem:$0x3FAF]  }
0x2b: {  	s6 =	sld [smem:$0x3FB0]  }
0x2c: {  	s7 =	sld [smem:$0x3FB1]  }
0x2d: {  	s3 =	simm.s32 $0x108;
	s8 =	sld [smem:$0x3FB2]  }
0x2e: {  	s3 =	simm.s32 @!p0 $0x1082;
	s9 =	sld [smem:$0x3FB3]  }
0x2f: {  	lr =	sadd.s32 s0, s3;
	s0 =	sld [smem:$0x3FAA]  }
0x30: {  	s3 =	sld [smem:$0x3FAD]  }
0x31: {  	[smem:$0x3FB6] =	sst s10  }
0x32: {  	s10 =	sld [smem:$0x3FB4];
	_ =	sdelay $0x3  }
0x33: {  	p0 =	seq.s32 s10, $0x1;
	s10 =	sld [smem:$0x3FB6];
	_ =	sdelay $0x3  }
0x34: {  	[smem:$0x3FB6] =	sst s10  }
0x35: {  	s10 =	sld [smem:$0x3FB5];
	_ =	sdelay $0x3  }
0x36: {  	p1 =	seq.s32 s10, $0x1;
	s10 =	sld [smem:$0x3FB6];
	_ =	sdelay $0x3  }
0x37: {  	[smem:$0x3FB6] =	sst s10  }
0x38: {  	s10 =	sld [smem:$0x3FB7]  }
0x39: {  	_ = 	snop;
	(pc) =	sbr.ind lr, $3  }
0x3a: {  	_ = 	snop  }
0x3b: {  	_ = 	snop  }
0x3c: {  	p2 =	seq.s32 s10, $0x1;
	s10 =	sld [smem:$0x3FB6]  }
0x3d: {  	_ =	shalt  }
0x3e: {  	_ =	shalt  }
0x3f: {  	_ =	shalt  }
0x40: {  	_ =	shalt  }
0x41: {  	_ =	shalt  }
0x42: {  	_ =	shalt  }
0x43: {  	_ =	shalt  }
0x44: {  	_ =	shalt  }
0x45: {  	_ =	shalt  }
0x46: {  	_ =	shalt  }
0x47: {  	_ =	shalt  }
0x48: {  	_ =	shalt  }
0x49: {  	_ =	shalt  }
0x4a: {  	_ =	shalt  }
0x4b: {  	_ =	shalt  }
0x4c: {  	_ =	shalt  }
0x4d: {  	_ =	shalt  }
0x4e: {  	_ =	shalt  }
0x4f: {  	_ =	shalt  }
0x50: {  	_ =	shalt  }
0x51: {  	_ =	shalt  }
0x52: {  	_ =	shalt  }
0x53: {  	_ =	shalt  }
0x54: {  	_ =	shalt  }
0x55: {  	_ =	shalt  }
0x56: {  	_ =	shalt  }
0x57: {  	_ =	shalt  }
0x58: {  	_ =	shalt  }
0x59: {  	_ =	shalt  }
0x5a: {  	_ =	shalt  }
0x5b: {  	_ =	shalt  }
0x5c: {  	_ =	shalt  }
0x5d: {  	_ =	shalt  }
0x5e: {  	_ =	shalt  }
0x5f: {  	_ =	shalt  }
0x60: {  	_ =	shalt  }
0x61: {  	_ =	shalt  }
0x62: {  	_ =	shalt  }
0x63: {  	_ =	shalt  }
0x64: {  	_ =	shalt  }
0x65: {  	_ =	shalt  }
0x66: {  	_ =	shalt  }
0x67: {  	_ =	shalt  }
0x68: {  	_ =	shalt  }
0x69: {  	_ =	shalt  }
0x6a: {  	_ =	shalt  }
0x6b: {  	_ =	shalt  }
0x6c: {  	_ =	shalt  }
0x6d: {  	_ =	shalt  }
0x6e: {  	_ =	shalt  }
0x6f: {  	_ =	shalt  }
0x70: {  	_ =	shalt  }
0x71: {  	_ =	shalt  }
0x72: {  	_ =	shalt  }
0x73: {  	_ =	shalt  }
0x74: {  	_ =	shalt  }
0x75: {  	_ =	shalt  }
0x76: {  	_ =	shalt  }
0x77: {  	_ =	shalt  }
0x78: {  	_ =	shalt  }
0x79: {  	_ =	shalt  }
0x7a: {  	_ =	shalt  }
0x7b: {  	_ =	shalt  }
0x7c: {  	_ =	shalt  }
0x7d: {  	_ =	shalt  }
0x7e: {  	_ =	shalt  }
0x7f: {  	_ =	shalt  }
0x80: {  	_ =	shalt  }
0x81: {  	_ =	shalt  }
0x82: {  	_ =	shalt  }
0x83: {  	_ =	shalt  }
0x84: {  	_ =	shalt  }
0x85: {  	_ =	shalt  }
0x86: {  	_ =	shalt  }
0x87: {  	_ =	shalt  }
.Lfunc_end0:
.L_simem_size_0:
called_computation_lowered:
.L_overlay_start_0:
0x88: {  	s2 =	sld [smem:$0x3FD9]  }
0x89: {  	s3 =	sld [smem:$0x3FFE];
	_ =	sdelay $0x1  }
0x8a: {  	s1 =	srdreg.scid  }
0x8b: {  	s0 =	sand.u32 $0x1, s1  }
0x8c: {  	s16 =	sshll.u32 s0, $0xA;
	s2 =	sadd.s32 s3, s2  }
0x8d: {  	s2 =	sadd.s32 s2, s16  }
0x8e: {  	[smem:$0x3FC2] =	sst s2  }
0x8f: {  	_ = 	snop  }
0x90: {  	(tm) =	ssettm $0x1  }
0x91: {  	s17 =	sld [smem:$0x3FFB];
	_ =	sdelay $0x3  }
0x92: {  	_ =	strace s17  }
0x93: {  	s2 =	sld [smem:$0x3FFC];
	_ =	sdelay $0x3  }
0x94: {  	_ =	strace s2  }
0x95: {  	s2 =	sld [smem:$0x3FFD];
	_ =	sdelay $0x3  }
0x96: {  	_ =	strace s2  }
0x97: {  	_ =	strace $0x8FFFFFFF  }
0x98: {  	s18 =	sld [smem:$0x3FDB];
	_ =	sdelay $0x1  }
0x99: {  	s19 =	simm.s32 $_scs_section_size  }
0x9a: {  	s4 =	simm.s32 $_size__tile_overlayer_lowered;
	s5 =	simm.s32 $_tile_overlayer_lowered  }
0x9b: {  	s22 =	simm.s32 $0x1BFF;
	s21 =	sshll.u32 s5, $0x1;
	s2 =	sadd.s32 s19, s18  }
0x9c: {  	s6 =	simm.s32 $0x0;
	s20 =	sshll.u32 s4, $0x1;
	s4 =	sadd.s32 s21, s2  }
0x9d: {  	[timem:s6], [sflag:s22] =	dma.local [hbm:s4], s20  }
0x9e: {  	_ =	swait.ge [sflag:s22], s20  }
0x9f: {  	s3 =	ssub.s32 $0x0, s20;
	[sflag:s22] =	ssyncset.done $0x0  }
0xa0: {  	[sflag:s22] =	ssyncadd.s32 s3;
	_ =	sdelay $0x1  }
0xa1: {  	s23 =	simm.s32 $0x1B8B  }
0xa2: {  	_ =	swait.ge [sflag:s23], $0x1  }
0xa3: {  	[sflag:s23] =	ssyncset.done $0x0  }
0xa4: {  	s25 =	simm.s32 $0x1B8E;
	s24 =	sld [smem:$0x3FFE];
	[sflag:s23] =	ssyncadd.s32 $0xFFFFFFFF  }
0xa5: {  	s26 =	simm.s32 $execute0_lowered;
	[smem:$0x3FD2] =	sst s25  }
0xa6: {  	s4 =	sshll.u32 s26, $0x1;
	_ =	strace $0x80000046;
	[dreg:$0x1] =	wrdreg $0xFFFFFFFF  }
0xa7: {  	s28 =	simm.s32 $_size_execute0_lowered;
	s2 =	sadd.s32 s2, s4;
	[dreg:$0x0] =	wrdreg $0x0  }
0xa8: {  	s4 =	sshll.u32 s28, $0x1;
	[dreg:$0x2] =	wrdreg s2  }
0xa9: {  	[dreg:$0x3] =	wrdreg s4  }
0xaa: {  	[dreg:$0x4] =	wrdreg $0xC0  }
0xab: {  	_ =	task [dreg:s6], $0x5FFFF  }
0xac: {  	[dreg:$0x1] =	wrdreg $0xFFFFFFFF  }
0xad: {  	[dreg:$0x0] =	wrdreg $0x60  }
0xae: {  	[dreg:$0x2] =	wrdreg s24  }
0xaf: {  	[dreg:$0x3] =	wrdreg $0x54000  }
0xb0: {  	[dreg:$0x4] =	wrdreg $0x9  }
0xb1: {  	_ =	task.clear_ibuf [dreg:s6], $0x5FFFF;
	_ =	strace $0x90000046  }
0xb2: {  	s29 =	simm.s32 $0x9;
	_ =	strace $0x80000048  }
0xb3: {  	_ =	swait.ge [sflag:s29], $0x1  }
0xb4: {  	[sflag:s29] =	ssyncadd.s32 $0xFFFFFFFF  }
0xb5: {  	_ =	strace $0x90000048  }
0xb6: {  	_ =	sfence  }
0xb7: {  	s30 =	sld [smem:$0x0];
	_ =	sdelay $0x2  }
0xb8: {  	s31 =	sshll.u32 s1, $0xD;
	s1 =	sshrl.u32 s1, $0x2  }
0xb9: {  	s3 =	sand.u32 $0x4000, s31;
	s1 =	sadd.s32 s1, s30  }
0xba: {  	s0 =	sor.u32 s3, s0;
	s1 =	sshll.u32 s1, $0x11  }
0xbb: {  	s0 =	sor.u32 s1, s0  }
0xbc: {  	s0 =	sadd.s32 $0x8F2B, s0  }
0xbd: {  	[sflag:s0] =	ssyncadd.remote.s32 $0x1  }
0xbe: {  	_ =	sfence.sel $0xFFFF  }
0xbf: {  	[dreg:$0x0] =	wrdreg $0xFFFFFFFF;
	(pc) =	sbr.abs _section_cstart, $3  }
0xc0: {  	[dreg:$0x1] =	wrdreg $0xFFFFFFFF  }
0xc1: {  	_ =	task.clear_ibuf [dreg:s6], $0x2FFFF;
	_ =	strace $0x9FFFFFFF  }
0xc2: {  	(tm) =	ssettm $0x7FFFFFFF  }
0xc3: {  	_ =	shalt  }
tec
execute0_lowered:
.L_overlay_start_1:
0x0: {  	(tag) =	ssettag $0x1  }
0x1: {  	s0 =	srdreg.scid;
	s6 =	rddreg [dreg:$0x0]  }
0x2: {  	s9 =	stileid.u32;
	s2 =	rddreg [dreg:$0x1]  }
0x3: {  	s3 =	simm.s32 $0x0;
	s10 =	simm.s32 $0x2;
	s13 =	simm.s32 $0x80  }
0x4: {  	s17 =	simm.s32 $0xC00;
	s18 =	simm.s32 $0xC80;
	s19 =	simm.s32 $0xD00  }
0x5: {  	s20 =	simm.s32 $0xD80;
	s21 =	simm.s32 $0xE00;
	s22 =	simm.s32 $0xE80  }
0x6: {  	s23 =	simm.s32 $0xF00;
	s28 =	simm.s32 $0x1100;
	s29 =	simm.s32 $0x1180  }
0x7: {  	s30 =	simm.s32 $0x1200;
	s31 =	simm.s32 $0x1280;
	s14 =	simm.s32 $0x1  }
0x8: {  	s15 =	simm.s32 $0x0;
	s0 =	sand.u32 $0x1, s0;
	s7 =	smul.u32 $0x14000, s9  }
0x9: {  	[smem:$0x7FF] =	sst s3;
	s4 =	sadd.s32 $0x6E00, s6;
	s8 =	smul.u32 $0x50000, s9  }
0xa: {  	s26 =	sshll.u32 s9, $0x6;
	s1 =	sshll.u32 s0, $0x4;
	s5 =	smul.u32 $0x140000, s0  }
0xb: {  	_ =	strace $0x80000047;
	s0 =	ssub.s32 $0x2, s0;
	s11 =	sor.u32 $0x1C02, s26  }
0xc: {  	s26 =	simm.s32 $0x1080;
	s1 =	sor.u32 s9, s1;
	s24 =	sshrl.u32 s0, $0x1  }
0xd: {  	s8 =	sshrl.u32 s8, $0x2;
	s9 =	simm.s32 $0x1400;
	s1 =	smul.u32 $0x280, s1  }
0xe: {  	s7 =	sadd.s32 s7, s5;
	s5 =	sadd.s32 $0x7600, s6;
	s0 =	ssub.s32 s0, s24  }
0xf: {  	s25 =	sadd.s32 s8, s2;
	s24 =	simm.s32 $0xF80;
	s7 =	sshrl.u32 s7, $0x3  }
0x10: {  	s8 =	smax.u32 s0, $0x1;
	s12 =	sshrl.u32 s25, $0x3;
	s25 =	simm.s32 $0x1000  }
0x11: {  	s0 =	simm.s32 $0x1380;
	s1 =	sadd.s32 s1, s6;
	s7 =	sadd.s32 s7, s6  }
0x12: {  	s6 =	sadd.s32 $0x1E00, s1;
	s7 =	sadd.s32 $0x9E00, s7;
	s1 =	simm.s32 $0x1300  }
.LBB2_1:
0x13: {  	[tilespmem:s9], [sflag:$0x2] =	stream.linear.gather [hbm4b:s4+s3], $0x4000, $0x38;
	[tilespmem:$0x19400] =	vst v63  }
0x14: {  	_ =	swait.ge [sflag:s10], $0x4000  }
0x15: {  	[sflag:s10] =	ssyncset.done $0x0  }
0x16: {  	[sflag:s10] =	ssyncadd.s32 $0xFFFFC000  }
0x17: {  	[tilespmem:s3], [sflag:$0x2] =	stream.linear.gather [hbm4b:s6+s3], $0x1400, $0x38;
	[tilespmem:$0x19400] =	vst v63  }
0x18: {  	_ =	swait.ge [sflag:s10], $0x1400  }
0x19: {  	[sflag:s10] =	ssyncset.done $0x0  }
0x1a: {  	[sflag:s10] =	ssyncadd.s32 $0xFFFFEC00  }
0x1b: {  	[spmem:s12], [sflag:s11] =	dma.local [hbm:s5], $0x2800  }
0x1c: {  	_ =	swait.ge [sflag:s10], $0x2800  }
0x1d: {  	[sflag:s10] =	ssyncset.done $0x0  }
0x1e: {  	[sflag:s10] =	ssyncadd.s32 $0xFFFFD800  }
0x1f: {  	[bflag:$0x0] =	sbarrier.arrive $0xFFFF  }
0x20: {  	[spmem:s2] =	stream.indirect.scatter.add.f32 [tilespmem:s9], [sflag:$0x1], $0x80, s3, s13, $0xb8;
	[tilespmem:$0x19400] =	vst v63  }
0x21: {  	_ = 	snop  }
0x22: {  	[spmem:s2] =	stream.indirect.scatter.add.f32 [tilespmem:s9], [sflag:$0x1], $0x80, s13, s13, $0xb8;
	[tilespmem:$0x19400] =	vst v63  }
0x23: {  	s16 =	simm.s32 $0x100  }
0x24: {  	[spmem:s2] =	stream.indirect.scatter.add.f32 [tilespmem:s9], [sflag:$0x1], $0x80, s16, s13, $0xb8;
	[tilespmem:$0x19400] =	vst v63  }
0x25: {  	s16 =	simm.s32 $0x180  }
0x26: {  	[spmem:s2] =	stream.indirect.scatter.add.f32 [tilespmem:s9], [sflag:$0x1], $0x80, s16, s13, $0xb8;
	[tilespmem:$0x19400] =	vst v63  }
0x27: {  	s16 =	simm.s32 $0x200  }
0x28: {  	[spmem:s2] =	stream.indirect.scatter.add.f32 [tilespmem:s9], [sflag:$0x1], $0x80, s16, s13, $0xb8;
	[tilespmem:$0x19400] =	vst v63  }
0x29: {  	s16 =	simm.s32 $0x280  }
0x2a: {  	[spmem:s2] =	stream.indirect.scatter.add.f32 [tilespmem:s9], [sflag:$0x1], $0x80, s16, s13, $0xb8;
	[tilespmem:$0x19400] =	vst v63  }
0x2b: {  	s16 =	simm.s32 $0x300  }
0x2c: {  	[spmem:s2] =	stream.indirect.scatter.add.f32 [tilespmem:s9], [sflag:$0x1], $0x80, s16, s13, $0xb8;
	[tilespmem:$0x19400] =	vst v63  }
0x2d: {  	s16 =	simm.s32 $0x380  }
0x2e: {  	[spmem:s2] =	stream.indirect.scatter.add.f32 [tilespmem:s9], [sflag:$0x1], $0x80, s16, s13, $0xb8;
	[tilespmem:$0x19400] =	vst v63  }
0x2f: {  	s16 =	simm.s32 $0x400  }
0x30: {  	[spmem:s2] =	stream.indirect.scatter.add.f32 [tilespmem:s9], [sflag:$0x1], $0x80, s16, s13, $0xb8;
	[tilespmem:$0x19400] =	vst v63  }
0x31: {  	s16 =	simm.s32 $0x480  }
0x32: {  	[spmem:s2] =	stream.indirect.scatter.add.f32 [tilespmem:s9], [sflag:$0x1], $0x80, s16, s13, $0xb8;
	[tilespmem:$0x19400] =	vst v63  }
0x33: {  	s16 =	simm.s32 $0x500  }
0x34: {  	[spmem:s2] =	stream.indirect.scatter.add.f32 [tilespmem:s9], [sflag:$0x1], $0x80, s16, s13, $0xb8;
	[tilespmem:$0x19400] =	vst v63  }
0x35: {  	s16 =	simm.s32 $0x580  }
0x36: {  	[spmem:s2] =	stream.indirect.scatter.add.f32 [tilespmem:s9], [sflag:$0x1], $0x80, s16, s13, $0xb8;
	[tilespmem:$0x19400] =	vst v63  }
0x37: {  	s16 =	simm.s32 $0x600  }
0x38: {  	[spmem:s2] =	stream.indirect.scatter.add.f32 [tilespmem:s9], [sflag:$0x1], $0x80, s16, s13, $0xb8;
	[tilespmem:$0x19400] =	vst v63  }
0x39: {  	s16 =	simm.s32 $0x680  }
0x3a: {  	[spmem:s2] =	stream.indirect.scatter.add.f32 [tilespmem:s9], [sflag:$0x1], $0x80, s16, s13, $0xb8;
	[tilespmem:$0x19400] =	vst v63  }
0x3b: {  	s16 =	simm.s32 $0x700  }
0x3c: {  	[spmem:s2] =	stream.indirect.scatter.add.f32 [tilespmem:s9], [sflag:$0x1], $0x80, s16, s13, $0xb8;
	[tilespmem:$0x19400] =	vst v63  }
0x3d: {  	s16 =	simm.s32 $0x780  }
0x3e: {  	[spmem:s2] =	stream.indirect.scatter.add.f32 [tilespmem:s9], [sflag:$0x1], $0x80, s16, s13, $0xb8;
	[tilespmem:$0x19400] =	vst v63  }
0x3f: {  	s16 =	simm.s32 $0x800  }
0x40: {  	[spmem:s2] =	stream.indirect.scatter.add.f32 [tilespmem:s9], [sflag:$0x1], $0x80, s16, s13, $0xb8;
	[tilespmem:$0x19400] =	vst v63  }
0x41: {  	s16 =	simm.s32 $0x880  }
0x42: {  	[spmem:s2] =	stream.indirect.scatter.add.f32 [tilespmem:s9], [sflag:$0x1], $0x80, s16, s13, $0xb8;
	[tilespmem:$0x19400] =	vst v63  }
0x43: {  	s16 =	simm.s32 $0x900  }
0x44: {  	[spmem:s2] =	stream.indirect.scatter.add.f32 [tilespmem:s9], [sflag:$0x1], $0x80, s16, s13, $0xb8;
	[tilespmem:$0x19400] =	vst v63  }
0x45: {  	s16 =	simm.s32 $0x980  }
0x46: {  	[spmem:s2] =	stream.indirect.scatter.add.f32 [tilespmem:s9], [sflag:$0x1], $0x80, s16, s13, $0xb8;
	[tilespmem:$0x19400] =	vst v63  }
0x47: {  	s16 =	simm.s32 $0xA00  }
0x48: {  	[spmem:s2] =	stream.indirect.scatter.add.f32 [tilespmem:s9], [sflag:$0x1], $0x80, s16, s13, $0xb8;
	[tilespmem:$0x19400] =	vst v63  }
0x49: {  	s16 =	simm.s32 $0xA80  }
0x4a: {  	[spmem:s2] =	stream.indirect.scatter.add.f32 [tilespmem:s9], [sflag:$0x1], $0x80, s16, s13, $0xb8;
	[tilespmem:$0x19400] =	vst v63  }
0x4b: {  	s16 =	simm.s32 $0xB00  }
0x4c: {  	[spmem:s2] =	stream.indirect.scatter.add.f32 [tilespmem:s9], [sflag:$0x1], $0x80, s16, s13, $0xb8;
	[tilespmem:$0x19400] =	vst v63  }
0x4d: {  	s16 =	simm.s32 $0xB80  }
0x4e: {  	[spmem:s2] =	stream.indirect.scatter.add.f32 [tilespmem:s9], [sflag:$0x1], $0x80, s16, s13, $0xb8;
	[tilespmem:$0x19400] =	vst v63  }
0x4f: {  	_ = 	snop  }
0x50: {  	[spmem:s2] =	stream.indirect.scatter.add.f32 [tilespmem:s9], [sflag:$0x1], $0x80, s17, s13, $0xb8;
	[tilespmem:$0x19400] =	vst v63  }
0x51: {  	_ = 	snop  }
0x52: {  	[spmem:s2] =	stream.indirect.scatter.add.f32 [tilespmem:s9], [sflag:$0x1], $0x80, s18, s13, $0xb8;
	[tilespmem:$0x19400] =	vst v63  }
0x53: {  	_ = 	snop  }
0x54: {  	[spmem:s2] =	stream.indirect.scatter.add.f32 [tilespmem:s9], [sflag:$0x1], $0x80, s19, s13, $0xb8;
	[tilespmem:$0x19400] =	vst v63  }
0x55: {  	_ = 	snop  }
0x56: {  	[spmem:s2] =	stream.indirect.scatter.add.f32 [tilespmem:s9], [sflag:$0x1], $0x80, s20, s13, $0xb8;
	[tilespmem:$0x19400] =	vst v63  }
0x57: {  	_ = 	snop  }
0x58: {  	[spmem:s2] =	stream.indirect.scatter.add.f32 [tilespmem:s9], [sflag:$0x1], $0x80, s21, s13, $0xb8;
	[tilespmem:$0x19400] =	vst v63  }
0x59: {  	_ = 	snop  }
0x5a: {  	[spmem:s2] =	stream.indirect.scatter.add.f32 [tilespmem:s9], [sflag:$0x1], $0x80, s22, s13, $0xb8;
	[tilespmem:$0x19400] =	vst v63  }
0x5b: {  	_ = 	snop  }
0x5c: {  	[spmem:s2] =	stream.indirect.scatter.add.f32 [tilespmem:s9], [sflag:$0x1], $0x80, s23, s13, $0xb8;
	[tilespmem:$0x19400] =	vst v63  }
0x5d: {  	_ = 	snop  }
0x5e: {  	[spmem:s2] =	stream.indirect.scatter.add.f32 [tilespmem:s9], [sflag:$0x1], $0x80, s24, s13, $0xb8;
	[tilespmem:$0x19400] =	vst v63  }
0x5f: {  	_ = 	snop  }
0x60: {  	[spmem:s2] =	stream.indirect.scatter.add.f32 [tilespmem:s9], [sflag:$0x1], $0x80, s25, s13, $0xb8;
	[tilespmem:$0x19400] =	vst v63  }
0x61: {  	_ = 	snop  }
0x62: {  	[spmem:s2] =	stream.indirect.scatter.add.f32 [tilespmem:s9], [sflag:$0x1], $0x80, s26, s13, $0xb8;
	[tilespmem:$0x19400] =	vst v63  }
0x63: {  	_ = 	snop  }
0x64: {  	[spmem:s2] =	stream.indirect.scatter.add.f32 [tilespmem:s9], [sflag:$0x1], $0x80, s28, s13, $0xb8;
	[tilespmem:$0x19400] =	vst v63  }
0x65: {  	_ = 	snop  }
0x66: {  	[spmem:s2] =	stream.indirect.scatter.add.f32 [tilespmem:s9], [sflag:$0x1], $0x80, s29, s13, $0xb8;
	[tilespmem:$0x19400] =	vst v63  }
0x67: {  	_ = 	snop  }
0x68: {  	[spmem:s2] =	stream.indirect.scatter.add.f32 [tilespmem:s9], [sflag:$0x1], $0x80, s30, s13, $0xb8;
	[tilespmem:$0x19400] =	vst v63  }
0x69: {  	_ = 	snop  }
0x6a: {  	[spmem:s2] =	stream.indirect.scatter.add.f32 [tilespmem:s9], [sflag:$0x1], $0x80, s31, s13, $0xb8;
	[tilespmem:$0x19400] =	vst v63  }
0x6b: {  	_ = 	snop  }
0x6c: {  	[spmem:s2] =	stream.indirect.scatter.add.f32 [tilespmem:s9], [sflag:$0x1], $0x80, s1, s13, $0xb8;
	[tilespmem:$0x19400] =	vst v63  }
0x6d: {  	_ = 	snop  }
0x6e: {  	[spmem:s2] =	stream.indirect.scatter.add.f32 [tilespmem:s9], [sflag:$0x1], $0x80, s0, s13, $0xb8;
	[tilespmem:$0x19400] =	vst v63  }
0x6f: {  	_ =	swait.ge [sflag:s14], $0x4000  }
0x70: {  	s16 =	simm.s32 $0x27;
	[sflag:s14] =	ssyncset.done $0x0  }
.LBB2_2:
0x71: {  	p0 =	sne.s32 s16, $0x1;
	s16 =	sadd.s32 $0xFFFFFFFF, s16;
	[sflag:s14] =	ssyncadd.s32 $0xFFFFC000  }
.Ltmp0:
0x72: {  	(pc) =	sbr.rel @p0 .LBB2_2-.Ltmp0, $3  }
0x73: {  	_ =	sdelay $0x1  }
0x74: {  	_ =	swait.ge [sflag:s14], $0x4000  }
0x75: {  	[sflag:s14] =	ssyncset.done $0x0  }
0x76: {  	s15 =	sadd.s32 $0x1, s15  }
0x77: {  	[sflag:s14] =	ssyncadd.s32 $0xFFFFC000;
	p0 =	sne.s32 s15, s8  }
.Ltmp1:
0x78: {  	[bflag:$0x0] =	sbarrier.arrive $0xFFFF;
	(pc) =	sbr.rel @p0 .LBB2_1-.Ltmp1, $4  }
0x79: {  	[hbm:s7], [sflag:s11] =	dma.local [spmem:s12], $0x2800  }
0x7a: {  	_ =	swait.ge [sflag:s10], $0x2800  }
0x7b: {  	[sflag:s10] =	ssyncset.done $0x0  }
0x7c: {  	[sflag:s10] =	ssyncadd.s32 $0xFFFFD800  }
0x7d: {  	_ =	sfence.sel $0x180000  }
0x7e: {  	[bflag:$0x0] =	sbarrier.arrive $0xFFFF  }
0x7f: {  	_ =	strace $0x90000047  }
0x80: {  	s0 =	stileid.u32;
	[bflag:$0x2] =	sbarrier.arrive $0xFFFF  }
0x81: {  	p0 =	sne.s32 s0, $0x0;
	s0 =	rddreg [dreg:$0x2]  }
0x82: {  	s0 =	sadd.s32 @!p0 $0x100000, s0  }
0x83: {  	[sflag:s0] =	ssyncadd.tile.s32 @!p0 $0x1;
	_ =	shalt  }
.Lfunc_end2:
_tile_overlayer_lowered:
.L_overlay_start_2:
0x84: {  	(tag) =	ssettag $0x2  }
0x85: {  	s0 =	rddreg [dreg:$0x0];
	s2 =	stileid.u32  }
0x86: {  	s1 =	rddreg [dreg:$0x1];
	p0 =	sne.s32 s2, $0x0  }
0x87: {  	s3 =	rddreg [dreg:$0x2];
	[bflag:$0x3] =	sbarrier.arrive $0xFFFF;
	s2 =	simm.s32 @!p0 $0x1C02  }
0x88: {  	[timem:s3], [sflag:s2] =	dma.local @!p0 [hbm:s0], s1  }
0x89: {  	s0 =	simm.s32 @!p0 $0x2  }
0x8a: {  	_ =	swait.ge @!p0 [sflag:s0], s1  }
0x8b: {  	s1 =	ssub.s32 @!p0 $0x0, s1;
	[sflag:s0] =	ssyncset.done @!p0 $0x0  }
0x8c: {  	[sflag:s0] =	ssyncadd.s32 @!p0 s1  }
0x8d: {  	[bflag:$0x3] =	sbarrier.arrive $0xFFFF  }
0x8e: {  	_ =	shalt  }

</sc_bundles>
